<compile_context>
chip_gen: v7x
topology: tpu7x:2x2x1
jax: 0.10.2.dev20260603
libtpu: 0.0.44.dev20260713+nightly
codegen_flags: <defaults>
</compile_context>

<pallas_src>
import functools

import jax
import jax.numpy as jnp
from jax import lax
from jax.experimental import pallas as pl
from jax.experimental.pallas import tpu as pltpu
from jax.experimental.pallas import tpu_sc as plsc

VOCAB = 40960
D = 128
B = 16384
NF = 30

NUM_CORES = 2
NUM_SUBCORES = 16
LANES = 16
NW = NUM_CORES * NUM_SUBCORES
S_PER_W = B // NW
D_VECS = D // LANES


def _sc_body(idx_hbm, table_hbm, out_hbm, *refs):
    ibufs = refs[:NF]
    accb, isem, sem = refs[NF], refs[NF + 1], refs[NF + 2]
    wid = lax.axis_index("s") * NUM_CORES + lax.axis_index("c")
    sbase = wid * S_PER_W

    for j in range(NF):
        pltpu.async_copy(
            idx_hbm.at[pl.ds(j * B + sbase, S_PER_W)], ibufs[j], isem)

    zero = jnp.zeros((LANES,), jnp.float32)

    def zero_row(r, _):
        for d in range(D_VECS):
            accb[r, pl.ds(d * LANES, LANES)] = zero
        return 0

    lax.fori_loop(0, S_PER_W, zero_row, 0)

    for j in range(NF):
        pltpu.make_async_copy(
            idx_hbm.at[pl.ds(j * B + sbase, S_PER_W)], ibufs[j], isem).wait()
        pltpu.async_copy(table_hbm.at[ibufs[j]], accb, sem, add=True)
    for j in range(NF):
        pltpu.make_async_copy(table_hbm.at[ibufs[j]], accb, sem).wait()

    pltpu.sync_copy(accb, out_hbm.at[pl.ds(sbase, S_PER_W)])


_sc_gather_sum = functools.partial(
    pl.kernel,
    out_type=jax.ShapeDtypeStruct((B, D), jnp.float32),
    mesh=plsc.VectorSubcoreMesh(
        core_axis_name="c", subcore_axis_name="s",
        num_cores=NUM_CORES, num_subcores=NUM_SUBCORES),
    scratch_types=(
        [pltpu.VMEM((S_PER_W,), jnp.int32) for _ in range(NF)]
        + [pltpu.VMEM((S_PER_W, D), jnp.float32),
           pltpu.SemaphoreType.DMA,
           pltpu.SemaphoreType.DMA]
    ),
)(_sc_body)


def _mlp_body(x_ref, w1_ref, b1_ref, w2_ref, b2_ref, w3_ref, b3_ref, o_ref):
    x = jnp.clip(x_ref[...], 0.0, 1.0)
    h = jnp.dot(x, w1_ref[...], preferred_element_type=jnp.float32)
    h = jnp.clip(h + b1_ref[...], 0.0, 1.0)
    h = jnp.dot(h, w2_ref[...], preferred_element_type=jnp.float32)
    h = jnp.clip(h + b2_ref[...], 0.0, 1.0)
    o_ref[...] = (jnp.dot(h, w3_ref[...], preferred_element_type=jnp.float32)
                  + b3_ref[...])[:, 0]


def kernel(idxs, table, w1, b1, w2, b2, w3, b3):
    idx_t = idxs.T.reshape(NF * B)
    acc = _sc_gather_sum(idx_t, table)
    bk = 8192
    def wspec(shape):
        return pl.BlockSpec(shape, lambda i: (0, 0))
    out = pl.pallas_call(
        _mlp_body,
        grid=(B // bk,),
        in_specs=[pl.BlockSpec((bk, D), lambda i: (i, 0)),
                  wspec((D, 32)), wspec((1, 32)), wspec((32, 32)),
                  wspec((1, 32)), wspec((32, 1)), wspec((1, 1))],
        out_specs=pl.BlockSpec((bk,), lambda i: (i,)),
        out_shape=jax.ShapeDtypeStruct((B,), jnp.float32),
    )(acc, w1, b1.reshape(1, 32), w2, b2.reshape(1, 32),
      w3, b3.reshape(1, 1))
    return out.reshape(B, 1)

# --- scband reference (transcript-rebuilt; emitter-appended) ---
"""Pipeline reference for scband-nnue-80281528696987 (READ-ONLY COPY).

The authoritative reference and input builder live on the scoring server;
editing this copy changes nothing except your own understanding.
"""

import jax, jax.numpy as jnp
import numpy as np

VOCAB = 10 * 64 * 64  # 40960
EMBED_DIM = 128
BATCH = 16384
N_FEATS = 30


def clipped_relu(x):
    return jnp.clip(x, 0.0, 1.0)


def setup_inputs(seed: int = 0) -> dict:
    key = jax.random.key(seed)
    ks = jax.random.split(key, 8)
    idxs = jax.random.randint(ks[0], (BATCH, N_FEATS), 0, VOCAB, dtype=jnp.int64 if jax.config.jax_enable_x64 else jnp.int32)
    idxs = idxs.astype(jnp.int32)
    table = jax.random.normal(ks[1], (VOCAB, EMBED_DIM), dtype=jnp.float32) * 0.02
    w1 = jax.random.normal(ks[2], (EMBED_DIM, 32), dtype=jnp.float32) * (1.0 / np.sqrt(EMBED_DIM))
    b1 = jnp.zeros((32,), dtype=jnp.float32)
    w2 = jax.random.normal(ks[3], (32, 32), dtype=jnp.float32) * (1.0 / np.sqrt(32))
    b2 = jnp.zeros((32,), dtype=jnp.float32)
    w3 = jax.random.normal(ks[4], (32, 1), dtype=jnp.float32) * (1.0 / np.sqrt(32))
    b3 = jnp.zeros((1,), dtype=jnp.float32)
    return {"idxs": idxs, "table": table, "w1": w1, "b1": b1, "w2": w2, "b2": b2, "w3": w3, "b3": b3}


def reference(idxs, table, w1, b1, w2, b2, w3, b3):
    # Embedding gather: [B, N_FEATS, EMBED_DIM]
    vecs = jnp.take(table, idxs, axis=0)
    # Accumulator: sum over active features (batched analogue of sum(dim=0, keepdim=True))
    acc = vecs.sum(axis=1)
    x = clipped_relu(acc)
    x = clipped_relu(x @ w1 + b1)
    x = clipped_relu(x @ w2 + b2)
    out = x @ w3 + b3
    return out

if __name__ == "__main__":
    import jax
    _d = setup_inputs()
    print(jax.jit(kernel)(*tuple(_d.values())))

</pallas_src>

<mosaic_0001>
#map = affine_map<(d0, d1) -> (0)>
#map1 = affine_map<(d0, d1) -> (0, 0)>
module attributes {stable_mosaic.version = 14 : i64} {
  func.func @_sc_body(%arg0: i32, %arg1: i32, %arg2: memref<491520xi32, #tpu.memory_space<hbm>>, %arg3: memref<40960x128xf32, #tpu.memory_space<hbm>>, %arg4: memref<16384x128xf32, #tpu.memory_space<hbm>>, %arg5: memref<512xi32, #tpu.memory_space<vmem>>, %arg6: memref<512xi32, #tpu.memory_space<vmem>>, %arg7: memref<512xi32, #tpu.memory_space<vmem>>, %arg8: memref<512xi32, #tpu.memory_space<vmem>>, %arg9: memref<512xi32, #tpu.memory_space<vmem>>, %arg10: memref<512xi32, #tpu.memory_space<vmem>>, %arg11: memref<512xi32, #tpu.memory_space<vmem>>, %arg12: memref<512xi32, #tpu.memory_space<vmem>>, %arg13: memref<512xi32, #tpu.memory_space<vmem>>, %arg14: memref<512xi32, #tpu.memory_space<vmem>>, %arg15: memref<512xi32, #tpu.memory_space<vmem>>, %arg16: memref<512xi32, #tpu.memory_space<vmem>>, %arg17: memref<512xi32, #tpu.memory_space<vmem>>, %arg18: memref<512xi32, #tpu.memory_space<vmem>>, %arg19: memref<512xi32, #tpu.memory_space<vmem>>, %arg20: memref<512xi32, #tpu.memory_space<vmem>>, %arg21: memref<512xi32, #tpu.memory_space<vmem>>, %arg22: memref<512xi32, #tpu.memory_space<vmem>>, %arg23: memref<512xi32, #tpu.memory_space<vmem>>, %arg24: memref<512xi32, #tpu.memory_space<vmem>>, %arg25: memref<512xi32, #tpu.memory_space<vmem>>, %arg26: memref<512xi32, #tpu.memory_space<vmem>>, %arg27: memref<512xi32, #tpu.memory_space<vmem>>, %arg28: memref<512xi32, #tpu.memory_space<vmem>>, %arg29: memref<512xi32, #tpu.memory_space<vmem>>, %arg30: memref<512xi32, #tpu.memory_space<vmem>>, %arg31: memref<512xi32, #tpu.memory_space<vmem>>, %arg32: memref<512xi32, #tpu.memory_space<vmem>>, %arg33: memref<512xi32, #tpu.memory_space<vmem>>, %arg34: memref<512xi32, #tpu.memory_space<vmem>>, %arg35: memref<512x128xf32, #tpu.memory_space<vmem>>, %arg36: memref<!tpu.dma_semaphore, #tpu.memory_space<semaphore_mem>>, %arg37: memref<!tpu.dma_semaphore, #tpu.memory_space<semaphore_mem>>) attributes {dimension_semantics = [#tpu.dimension_semantics<core_parallel>, #tpu.dimension_semantics<subcore_parallel>], iteration_bounds = array<i64: 2, 16>, scalar_prefetch = 0 : i64, scratch_operands = 33 : i64, tpu.core_type = #tpu.core_type<sc_vector_subcore>, window_params = [{transform_indices = #map}, {transform_indices = #map1}, {transform_indices = #map1}]} {
    %mul3A = arith.constant 2 : i32
    %mul3A_0 = arith.muli %arg1, %mul3A : i32
    %add3A = arith.addi %mul3A_0, %arg0 : i32
    %mul3A_1 = arith.constant 512 : i32
    %mul3A_2 = arith.muli %add3A, %mul3A_1 : i32
    %add3A_3 = arith.constant 0 : i32
    %add3A_4 = arith.addi %add3A_3, %mul3A_2 : i32
    %dma_start3A = tpu.memref_slice %arg2[%add3A_4] : memref<491520xi32, #tpu.memory_space<hbm>> -> memref<512xi32, #tpu.memory_space<hbm>>
    %dma_start3A_5 = tpu.memref_slice %arg2[%add3A_4] : memref<491520xi32, #tpu.memory_space<hbm>> -> memref<512xi32, #tpu.memory_space<hbm>>
    tpu.enqueue_dma source(%dma_start3A_5 : memref<512xi32, #tpu.memory_space<hbm>>) target(%arg5 : memref<512xi32, #tpu.memory_space<vmem>>) target_semaphore(%arg36 : memref<!tpu.dma_semaphore, #tpu.memory_space<semaphore_mem>>)
    %add3A_6 = arith.constant 16384 : i32
    %add3A_7 = arith.addi %add3A_6, %mul3A_2 : i32
    %dma_start3A_8 = tpu.memref_slice %arg2[%add3A_7] : memref<491520xi32, #tpu.memory_space<hbm>> -> memref<512xi32, #tpu.memory_space<hbm>>
    %dma_start3A_9 = tpu.memref_slice %arg2[%add3A_7] : memref<491520xi32, #tpu.memory_space<hbm>> -> memref<512xi32, #tpu.memory_space<hbm>>
    tpu.enqueue_dma source(%dma_start3A_9 : memref<512xi32, #tpu.memory_space<hbm>>) target(%arg6 : memref<512xi32, #tpu.memory_space<vmem>>) target_semaphore(%arg36 : memref<!tpu.dma_semaphore, #tpu.memory_space<semaphore_mem>>)
    %add3A_10 = arith.constant 32768 : i32
    %add3A_11 = arith.addi %add3A_10, %mul3A_2 : i32
    %dma_start3A_12 = tpu.memref_slice %arg2[%add3A_11] : memref<491520xi32, #tpu.memory_space<hbm>> -> memref<512xi32, #tpu.memory_space<hbm>>
    %dma_start3A_13 = tpu.memref_slice %arg2[%add3A_11] : memref<491520xi32, #tpu.memory_space<hbm>> -> memref<512xi32, #tpu.memory_space<hbm>>
    tpu.enqueue_dma source(%dma_start3A_13 : memref<512xi32, #tpu.memory_space<hbm>>) target(%arg7 : memref<512xi32, #tpu.memory_space<vmem>>) target_semaphore(%arg36 : memref<!tpu.dma_semaphore, #tpu.memory_space<semaphore_mem>>)
    %add3A_14 = arith.constant 49152 : i32
    %add3A_15 = arith.addi %add3A_14, %mul3A_2 : i32
    %dma_start3A_16 = tpu.memref_slice %arg2[%add3A_15] : memref<491520xi32, #tpu.memory_space<hbm>> -> memref<512xi32, #tpu.memory_space<hbm>>
    %dma_start3A_17 = tpu.memref_slice %arg2[%add3A_15] : memref<491520xi32, #tpu.memory_space<hbm>> -> memref<512xi32, #tpu.memory_space<hbm>>
    tpu.enqueue_dma source(%dma_start3A_17 : memref<512xi32, #tpu.memory_space<hbm>>) target(%arg8 : memref<512xi32, #tpu.memory_space<vmem>>) target_semaphore(%arg36 : memref<!tpu.dma_semaphore, #tpu.memory_space<semaphore_mem>>)
    %add3A_18 = arith.constant 65536 : i32
    %add3A_19 = arith.addi %add3A_18, %mul3A_2 : i32
    %dma_start3A_20 = tpu.memref_slice %arg2[%add3A_19] : memref<491520xi32, #tpu.memory_space<hbm>> -> memref<512xi32, #tpu.memory_space<hbm>>
    %dma_start3A_21 = tpu.memref_slice %arg2[%add3A_19] : memref<491520xi32, #tpu.memory_space<hbm>> -> memref<512xi32, #tpu.memory_space<hbm>>
    tpu.enqueue_dma source(%dma_start3A_21 : memref<512xi32, #tpu.memory_space<hbm>>) target(%arg9 : memref<512xi32, #tpu.memory_space<vmem>>) target_semaphore(%arg36 : memref<!tpu.dma_semaphore, #tpu.memory_space<semaphore_mem>>)
    %add3A_22 = arith.constant 81920 : i32
    %add3A_23 = arith.addi %add3A_22, %mul3A_2 : i32
    %dma_start3A_24 = tpu.memref_slice %arg2[%add3A_23] : memref<491520xi32, #tpu.memory_space<hbm>> -> memref<512xi32, #tpu.memory_space<hbm>>
    %dma_start3A_25 = tpu.memref_slice %arg2[%add3A_23] : memref<491520xi32, #tpu.memory_space<hbm>> -> memref<512xi32, #tpu.memory_space<hbm>>
    tpu.enqueue_dma source(%dma_start3A_25 : memref<512xi32, #tpu.memory_space<hbm>>) target(%arg10 : memref<512xi32, #tpu.memory_space<vmem>>) target_semaphore(%arg36 : memref<!tpu.dma_semaphore, #tpu.memory_space<semaphore_mem>>)
    %add3A_26 = arith.constant 98304 : i32
    %add3A_27 = arith.addi %add3A_26, %mul3A_2 : i32
    %dma_start3A_28 = tpu.memref_slice %arg2[%add3A_27] : memref<491520xi32, #tpu.memory_space<hbm>> -> memref<512xi32, #tpu.memory_space<hbm>>
    %dma_start3A_29 = tpu.memref_slice %arg2[%add3A_27] : memref<491520xi32, #tpu.memory_space<hbm>> -> memref<512xi32, #tpu.memory_space<hbm>>
    tpu.enqueue_dma source(%dma_start3A_29 : memref<512xi32, #tpu.memory_space<hbm>>) target(%arg11 : memref<512xi32, #tpu.memory_space<vmem>>) target_semaphore(%arg36 : memref<!tpu.dma_semaphore, #tpu.memory_space<semaphore_mem>>)
    %add3A_30 = arith.constant 114688 : i32
    %add3A_31 = arith.addi %add3A_30, %mul3A_2 : i32
    %dma_start3A_32 = tpu.memref_slice %arg2[%add3A_31] : memref<491520xi32, #tpu.memory_space<hbm>> -> memref<512xi32, #tpu.memory_space<hbm>>
    %dma_start3A_33 = tpu.memref_slice %arg2[%add3A_31] : memref<491520xi32, #tpu.memory_space<hbm>> -> memref<512xi32, #tpu.memory_space<hbm>>
    tpu.enqueue_dma source(%dma_start3A_33 : memref<512xi32, #tpu.memory_space<hbm>>) target(%arg12 : memref<512xi32, #tpu.memory_space<vmem>>) target_semaphore(%arg36 : memref<!tpu.dma_semaphore, #tpu.memory_space<semaphore_mem>>)
    %add3A_34 = arith.constant 131072 : i32
    %add3A_35 = arith.addi %add3A_34, %mul3A_2 : i32
    %dma_start3A_36 = tpu.memref_slice %arg2[%add3A_35] : memref<491520xi32, #tpu.memory_space<hbm>> -> memref<512xi32, #tpu.memory_space<hbm>>
    %dma_start3A_37 = tpu.memref_slice %arg2[%add3A_35] : memref<491520xi32, #tpu.memory_space<hbm>> -> memref<512xi32, #tpu.memory_space<hbm>>
    tpu.enqueue_dma source(%dma_start3A_37 : memref<512xi32, #tpu.memory_space<hbm>>) target(%arg13 : memref<512xi32, #tpu.memory_space<vmem>>) target_semaphore(%arg36 : memref<!tpu.dma_semaphore, #tpu.memory_space<semaphore_mem>>)
    %add3A_38 = arith.constant 147456 : i32
    %add3A_39 = arith.addi %add3A_38, %mul3A_2 : i32
    %dma_start3A_40 = tpu.memref_slice %arg2[%add3A_39] : memref<491520xi32, #tpu.memory_space<hbm>> -> memref<512xi32, #tpu.memory_space<hbm>>
    %dma_start3A_41 = tpu.memref_slice %arg2[%add3A_39] : memref<491520xi32, #tpu.memory_space<hbm>> -> memref<512xi32, #tpu.memory_space<hbm>>
    tpu.enqueue_dma source(%dma_start3A_41 : memref<512xi32, #tpu.memory_space<hbm>>) target(%arg14 : memref<512xi32, #tpu.memory_space<vmem>>) target_semaphore(%arg36 : memref<!tpu.dma_semaphore, #tpu.memory_space<semaphore_mem>>)
    %add3A_42 = arith.constant 163840 : i32
    %add3A_43 = arith.addi %add3A_42, %mul3A_2 : i32
    %dma_start3A_44 = tpu.memref_slice %arg2[%add3A_43] : memref<491520xi32, #tpu.memory_space<hbm>> -> memref<512xi32, #tpu.memory_space<hbm>>
    %dma_start3A_45 = tpu.memref_slice %arg2[%add3A_43] : memref<491520xi32, #tpu.memory_space<hbm>> -> memref<512xi32, #tpu.memory_space<hbm>>
    tpu.enqueue_dma source(%dma_start3A_45 : memref<512xi32, #tpu.memory_space<hbm>>) target(%arg15 : memref<512xi32, #tpu.memory_space<vmem>>) target_semaphore(%arg36 : memref<!tpu.dma_semaphore, #tpu.memory_space<semaphore_mem>>)
    %add3A_46 = arith.constant 180224 : i32
    %add3A_47 = arith.addi %add3A_46, %mul3A_2 : i32
    %dma_start3A_48 = tpu.memref_slice %arg2[%add3A_47] : memref<491520xi32, #tpu.memory_space<hbm>> -> memref<512xi32, #tpu.memory_space<hbm>>
    %dma_start3A_49 = tpu.memref_slice %arg2[%add3A_47] : memref<491520xi32, #tpu.memory_space<hbm>> -> memref<512xi32, #tpu.memory_space<hbm>>
    tpu.enqueue_dma source(%dma_start3A_49 : memref<512xi32, #tpu.memory_space<hbm>>) target(%arg16 : memref<512xi32, #tpu.memory_space<vmem>>) target_semaphore(%arg36 : memref<!tpu.dma_semaphore, #tpu.memory_space<semaphore_mem>>)
    %add3A_50 = arith.constant 196608 : i32
    %add3A_51 = arith.addi %add3A_50, %mul3A_2 : i32
    %dma_start3A_52 = tpu.memref_slice %arg2[%add3A_51] : memref<491520xi32, #tpu.memory_space<hbm>> -> memref<512xi32, #tpu.memory_space<hbm>>
    %dma_start3A_53 = tpu.memref_slice %arg2[%add3A_51] : memref<491520xi32, #tpu.memory_space<hbm>> -> memref<512xi32, #tpu.memory_space<hbm>>
    tpu.enqueue_dma source(%dma_start3A_53 : memref<512xi32, #tpu.memory_space<hbm>>) target(%arg17 : memref<512xi32, #tpu.memory_space<vmem>>) target_semaphore(%arg36 : memref<!tpu.dma_semaphore, #tpu.memory_space<semaphore_mem>>)
    %add3A_54 = arith.constant 212992 : i32
    %add3A_55 = arith.addi %add3A_54, %mul3A_2 : i32
    %dma_start3A_56 = tpu.memref_slice %arg2[%add3A_55] : memref<491520xi32, #tpu.memory_space<hbm>> -> memref<512xi32, #tpu.memory_space<hbm>>
    %dma_start3A_57 = tpu.memref_slice %arg2[%add3A_55] : memref<491520xi32, #tpu.memory_space<hbm>> -> memref<512xi32, #tpu.memory_space<hbm>>
    tpu.enqueue_dma source(%dma_start3A_57 : memref<512xi32, #tpu.memory_space<hbm>>) target(%arg18 : memref<512xi32, #tpu.memory_space<vmem>>) target_semaphore(%arg36 : memref<!tpu.dma_semaphore, #tpu.memory_space<semaphore_mem>>)
    %add3A_58 = arith.constant 229376 : i32
    %add3A_59 = arith.addi %add3A_58, %mul3A_2 : i32
    %dma_start3A_60 = tpu.memref_slice %arg2[%add3A_59] : memref<491520xi32, #tpu.memory_space<hbm>> -> memref<512xi32, #tpu.memory_space<hbm>>
    %dma_start3A_61 = tpu.memref_slice %arg2[%add3A_59] : memref<491520xi32, #tpu.memory_space<hbm>> -> memref<512xi32, #tpu.memory_space<hbm>>
    tpu.enqueue_dma source(%dma_start3A_61 : memref<512xi32, #tpu.memory_space<hbm>>) target(%arg19 : memref<512xi32, #tpu.memory_space<vmem>>) target_semaphore(%arg36 : memref<!tpu.dma_semaphore, #tpu.memory_space<semaphore_mem>>)
    %add3A_62 = arith.constant 245760 : i32
    %add3A_63 = arith.addi %add3A_62, %mul3A_2 : i32
    %dma_start3A_64 = tpu.memref_slice %arg2[%add3A_63] : memref<491520xi32, #tpu.memory_space<hbm>> -> memref<512xi32, #tpu.memory_space<hbm>>
    %dma_start3A_65 = tpu.memref_slice %arg2[%add3A_63] : memref<491520xi32, #tpu.memory_space<hbm>> -> memref<512xi32, #tpu.memory_space<hbm>>
    tpu.enqueue_dma source(%dma_start3A_65 : memref<512xi32, #tpu.memory_space<hbm>>) target(%arg20 : memref<512xi32, #tpu.memory_space<vmem>>) target_semaphore(%arg36 : memref<!tpu.dma_semaphore, #tpu.memory_space<semaphore_mem>>)
    %add3A_66 = arith.constant 262144 : i32
    %add3A_67 = arith.addi %add3A_66, %mul3A_2 : i32
    %dma_start3A_68 = tpu.memref_slice %arg2[%add3A_67] : memref<491520xi32, #tpu.memory_space<hbm>> -> memref<512xi32, #tpu.memory_space<hbm>>
    %dma_start3A_69 = tpu.memref_slice %arg2[%add3A_67] : memref<491520xi32, #tpu.memory_space<hbm>> -> memref<512xi32, #tpu.memory_space<hbm>>
    tpu.enqueue_dma source(%dma_start3A_69 : memref<512xi32, #tpu.memory_space<hbm>>) target(%arg21 : memref<512xi32, #tpu.memory_space<vmem>>) target_semaphore(%arg36 : memref<!tpu.dma_semaphore, #tpu.memory_space<semaphore_mem>>)
    %add3A_70 = arith.constant 278528 : i32
    %add3A_71 = arith.addi %add3A_70, %mul3A_2 : i32
    %dma_start3A_72 = tpu.memref_slice %arg2[%add3A_71] : memref<491520xi32, #tpu.memory_space<hbm>> -> memref<512xi32, #tpu.memory_space<hbm>>
    %dma_start3A_73 = tpu.memref_slice %arg2[%add3A_71] : memref<491520xi32, #tpu.memory_space<hbm>> -> memref<512xi32, #tpu.memory_space<hbm>>
    tpu.enqueue_dma source(%dma_start3A_73 : memref<512xi32, #tpu.memory_space<hbm>>) target(%arg22 : memref<512xi32, #tpu.memory_space<vmem>>) target_semaphore(%arg36 : memref<!tpu.dma_semaphore, #tpu.memory_space<semaphore_mem>>)
    %add3A_74 = arith.constant 294912 : i32
    %add3A_75 = arith.addi %add3A_74, %mul3A_2 : i32
    %dma_start3A_76 = tpu.memref_slice %arg2[%add3A_75] : memref<491520xi32, #tpu.memory_space<hbm>> -> memref<512xi32, #tpu.memory_space<hbm>>
    %dma_start3A_77 = tpu.memref_slice %arg2[%add3A_75] : memref<491520xi32, #tpu.memory_space<hbm>> -> memref<512xi32, #tpu.memory_space<hbm>>
    tpu.enqueue_dma source(%dma_start3A_77 : memref<512xi32, #tpu.memory_space<hbm>>) target(%arg23 : memref<512xi32, #tpu.memory_space<vmem>>) target_semaphore(%arg36 : memref<!tpu.dma_semaphore, #tpu.memory_space<semaphore_mem>>)
    %add3A_78 = arith.constant 311296 : i32
    %add3A_79 = arith.addi %add3A_78, %mul3A_2 : i32
    %dma_start3A_80 = tpu.memref_slice %arg2[%add3A_79] : memref<491520xi32, #tpu.memory_space<hbm>> -> memref<512xi32, #tpu.memory_space<hbm>>
    %dma_start3A_81 = tpu.memref_slice %arg2[%add3A_79] : memref<491520xi32, #tpu.memory_space<hbm>> -> memref<512xi32, #tpu.memory_space<hbm>>
    tpu.enqueue_dma source(%dma_start3A_81 : memref<512xi32, #tpu.memory_space<hbm>>) target(%arg24 : memref<512xi32, #tpu.memory_space<vmem>>) target_semaphore(%arg36 : memref<!tpu.dma_semaphore, #tpu.memory_space<semaphore_mem>>)
    %add3A_82 = arith.constant 327680 : i32
    %add3A_83 = arith.addi %add3A_82, %mul3A_2 : i32
    %dma_start3A_84 = tpu.memref_slice %arg2[%add3A_83] : memref<491520xi32, #tpu.memory_space<hbm>> -> memref<512xi32, #tpu.memory_space<hbm>>
    %dma_start3A_85 = tpu.memref_slice %arg2[%add3A_83] : memref<491520xi32, #tpu.memory_space<hbm>> -> memref<512xi32, #tpu.memory_space<hbm>>
    tpu.enqueue_dma source(%dma_start3A_85 : memref<512xi32, #tpu.memory_space<hbm>>) target(%arg25 : memref<512xi32, #tpu.memory_space<vmem>>) target_semaphore(%arg36 : memref<!tpu.dma_semaphore, #tpu.memory_space<semaphore_mem>>)
    %add3A_86 = arith.constant 344064 : i32
    %add3A_87 = arith.addi %add3A_86, %mul3A_2 : i32
    %dma_start3A_88 = tpu.memref_slice %arg2[%add3A_87] : memref<491520xi32, #tpu.memory_space<hbm>> -> memref<512xi32, #tpu.memory_space<hbm>>
    %dma_start3A_89 = tpu.memref_slice %arg2[%add3A_87] : memref<491520xi32, #tpu.memory_space<hbm>> -> memref<512xi32, #tpu.memory_space<hbm>>
    tpu.enqueue_dma source(%dma_start3A_89 : memref<512xi32, #tpu.memory_space<hbm>>) target(%arg26 : memref<512xi32, #tpu.memory_space<vmem>>) target_semaphore(%arg36 : memref<!tpu.dma_semaphore, #tpu.memory_space<semaphore_mem>>)
    %add3A_90 = arith.constant 360448 : i32
    %add3A_91 = arith.addi %add3A_90, %mul3A_2 : i32
    %dma_start3A_92 = tpu.memref_slice %arg2[%add3A_91] : memref<491520xi32, #tpu.memory_space<hbm>> -> memref<512xi32, #tpu.memory_space<hbm>>
    %dma_start3A_93 = tpu.memref_slice %arg2[%add3A_91] : memref<491520xi32, #tpu.memory_space<hbm>> -> memref<512xi32, #tpu.memory_space<hbm>>
    tpu.enqueue_dma source(%dma_start3A_93 : memref<512xi32, #tpu.memory_space<hbm>>) target(%arg27 : memref<512xi32, #tpu.memory_space<vmem>>) target_semaphore(%arg36 : memref<!tpu.dma_semaphore, #tpu.memory_space<semaphore_mem>>)
    %add3A_94 = arith.constant 376832 : i32
    %add3A_95 = arith.addi %add3A_94, %mul3A_2 : i32
    %dma_start3A_96 = tpu.memref_slice %arg2[%add3A_95] : memref<491520xi32, #tpu.memory_space<hbm>> -> memref<512xi32, #tpu.memory_space<hbm>>
    %dma_start3A_97 = tpu.memref_slice %arg2[%add3A_95] : memref<491520xi32, #tpu.memory_space<hbm>> -> memref<512xi32, #tpu.memory_space<hbm>>
    tpu.enqueue_dma source(%dma_start3A_97 : memref<512xi32, #tpu.memory_space<hbm>>) target(%arg28 : memref<512xi32, #tpu.memory_space<vmem>>) target_semaphore(%arg36 : memref<!tpu.dma_semaphore, #tpu.memory_space<semaphore_mem>>)
    %add3A_98 = arith.constant 393216 : i32
    %add3A_99 = arith.addi %add3A_98, %mul3A_2 : i32
    %dma_start3A_100 = tpu.memref_slice %arg2[%add3A_99] : memref<491520xi32, #tpu.memory_space<hbm>> -> memref<512xi32, #tpu.memory_space<hbm>>
    %dma_start3A_101 = tpu.memref_slice %arg2[%add3A_99] : memref<491520xi32, #tpu.memory_space<hbm>> -> memref<512xi32, #tpu.memory_space<hbm>>
    tpu.enqueue_dma source(%dma_start3A_101 : memref<512xi32, #tpu.memory_space<hbm>>) target(%arg29 : memref<512xi32, #tpu.memory_space<vmem>>) target_semaphore(%arg36 : memref<!tpu.dma_semaphore, #tpu.memory_space<semaphore_mem>>)
    %add3A_102 = arith.constant 409600 : i32
    %add3A_103 = arith.addi %add3A_102, %mul3A_2 : i32
    %dma_start3A_104 = tpu.memref_slice %arg2[%add3A_103] : memref<491520xi32, #tpu.memory_space<hbm>> -> memref<512xi32, #tpu.memory_space<hbm>>
    %dma_start3A_105 = tpu.memref_slice %arg2[%add3A_103] : memref<491520xi32, #tpu.memory_space<hbm>> -> memref<512xi32, #tpu.memory_space<hbm>>
    tpu.enqueue_dma source(%dma_start3A_105 : memref<512xi32, #tpu.memory_space<hbm>>) target(%arg30 : memref<512xi32, #tpu.memory_space<vmem>>) target_semaphore(%arg36 : memref<!tpu.dma_semaphore, #tpu.memory_space<semaphore_mem>>)
    %add3A_106 = arith.constant 425984 : i32
    %add3A_107 = arith.addi %add3A_106, %mul3A_2 : i32
    %dma_start3A_108 = tpu.memref_slice %arg2[%add3A_107] : memref<491520xi32, #tpu.memory_space<hbm>> -> memref<512xi32, #tpu.memory_space<hbm>>
    %dma_start3A_109 = tpu.memref_slice %arg2[%add3A_107] : memref<491520xi32, #tpu.memory_space<hbm>> -> memref<512xi32, #tpu.memory_space<hbm>>
    tpu.enqueue_dma source(%dma_start3A_109 : memref<512xi32, #tpu.memory_space<hbm>>) target(%arg31 : memref<512xi32, #tpu.memory_space<vmem>>) target_semaphore(%arg36 : memref<!tpu.dma_semaphore, #tpu.memory_space<semaphore_mem>>)
    %add3A_110 = arith.constant 442368 : i32
    %add3A_111 = arith.addi %add3A_110, %mul3A_2 : i32
    %dma_start3A_112 = tpu.memref_slice %arg2[%add3A_111] : memref<491520xi32, #tpu.memory_space<hbm>> -> memref<512xi32, #tpu.memory_space<hbm>>
    %dma_start3A_113 = tpu.memref_slice %arg2[%add3A_111] : memref<491520xi32, #tpu.memory_space<hbm>> -> memref<512xi32, #tpu.memory_space<hbm>>
    tpu.enqueue_dma source(%dma_start3A_113 : memref<512xi32, #tpu.memory_space<hbm>>) target(%arg32 : memref<512xi32, #tpu.memory_space<vmem>>) target_semaphore(%arg36 : memref<!tpu.dma_semaphore, #tpu.memory_space<semaphore_mem>>)
    %add3A_114 = arith.constant 458752 : i32
    %add3A_115 = arith.addi %add3A_114, %mul3A_2 : i32
    %dma_start3A_116 = tpu.memref_slice %arg2[%add3A_115] : memref<491520xi32, #tpu.memory_space<hbm>> -> memref<512xi32, #tpu.memory_space<hbm>>
    %dma_start3A_117 = tpu.memref_slice %arg2[%add3A_115] : memref<491520xi32, #tpu.memory_space<hbm>> -> memref<512xi32, #tpu.memory_space<hbm>>
    tpu.enqueue_dma source(%dma_start3A_117 : memref<512xi32, #tpu.memory_space<hbm>>) target(%arg33 : memref<512xi32, #tpu.memory_space<vmem>>) target_semaphore(%arg36 : memref<!tpu.dma_semaphore, #tpu.memory_space<semaphore_mem>>)
    %add3A_118 = arith.constant 475136 : i32
    %add3A_119 = arith.addi %add3A_118, %mul3A_2 : i32
    %dma_start3A_120 = tpu.memref_slice %arg2[%add3A_119] : memref<491520xi32, #tpu.memory_space<hbm>> -> memref<512xi32, #tpu.memory_space<hbm>>
    %dma_start3A_121 = tpu.memref_slice %arg2[%add3A_119] : memref<491520xi32, #tpu.memory_space<hbm>> -> memref<512xi32, #tpu.memory_space<hbm>>
    tpu.enqueue_dma source(%dma_start3A_121 : memref<512xi32, #tpu.memory_space<hbm>>) target(%arg34 : memref<512xi32, #tpu.memory_space<vmem>>) target_semaphore(%arg36 : memref<!tpu.dma_semaphore, #tpu.memory_space<semaphore_mem>>)
    %broadcast_in_dim3A = arith.constant 0.000000e+00 : f32
    %broadcast_in_dim3A_122 = vector.broadcast %broadcast_in_dim3A : f32 to vector<16xf32>
    %scan3A = arith.constant 0 : i32
    %scan3A_123 = arith.constant 0 : i32
    %scan3A_124 = arith.constant 512 : i32
    %scan3A_125 = arith.addi %scan3A_123, %scan3A_124 : i32
    %scan3A_126 = arith.constant 1 : i32
    %scan3A_127 = scf.for %scan3A_428 = %scan3A_123 to %scan3A_125 step %scan3A_126 iter_args(%scan3A_429 = %scan3A) -> (i32)  : i32 {
      %swap3A = arith.index_cast %scan3A_428 : i32 to index
      %swap3A_430 = arith.constant 0 : index
      %swap3A_431 = tpu.vector_load %arg35[%swap3A, %swap3A_430] {strides = array<i32>} : memref<512x128xf32, #tpu.memory_space<vmem>>, vector<1x16xf32>,
      %swap3A_432 = vector.shape_cast %swap3A_431 : vector<1x16xf32> to vector<16xf32>
      %swap3A_433 = vector.shape_cast %broadcast_in_dim3A_122 : vector<16xf32> to vector<1x16xf32>
      tpu.vector_store %arg35[%swap3A, %swap3A_430], %swap3A_433 {strides = array<i32>} : memref<512x128xf32, #tpu.memory_space<vmem>>, vector<1x16xf32>,
      %swap3A_434 = arith.index_cast %scan3A_428 : i32 to index
      %swap3A_435 = arith.constant 16 : index
      %swap3A_436 = tpu.vector_load %arg35[%swap3A_434, %swap3A_435] {strides = array<i32>} : memref<512x128xf32, #tpu.memory_space<vmem>>, vector<1x16xf32>,
      %swap3A_437 = vector.shape_cast %swap3A_436 : vector<1x16xf32> to vector<16xf32>
      %swap3A_438 = vector.shape_cast %broadcast_in_dim3A_122 : vector<16xf32> to vector<1x16xf32>
      tpu.vector_store %arg35[%swap3A_434, %swap3A_435], %swap3A_438 {strides = array<i32>} : memref<512x128xf32, #tpu.memory_space<vmem>>, vector<1x16xf32>,
      %swap3A_439 = arith.index_cast %scan3A_428 : i32 to index
      %swap3A_440 = arith.constant 32 : index
      %swap3A_441 = tpu.vector_load %arg35[%swap3A_439, %swap3A_440] {strides = array<i32>} : memref<512x128xf32, #tpu.memory_space<vmem>>, vector<1x16xf32>,
      %swap3A_442 = vector.shape_cast %swap3A_441 : vector<1x16xf32> to vector<16xf32>
      %swap3A_443 = vector.shape_cast %broadcast_in_dim3A_122 : vector<16xf32> to vector<1x16xf32>
      tpu.vector_store %arg35[%swap3A_439, %swap3A_440], %swap3A_443 {strides = array<i32>} : memref<512x128xf32, #tpu.memory_space<vmem>>, vector<1x16xf32>,
      %swap3A_444 = arith.index_cast %scan3A_428 : i32 to index
      %swap3A_445 = arith.constant 48 : index
      %swap3A_446 = tpu.vector_load %arg35[%swap3A_444, %swap3A_445] {strides = array<i32>} : memref<512x128xf32, #tpu.memory_space<vmem>>, vector<1x16xf32>,
      %swap3A_447 = vector.shape_cast %swap3A_446 : vector<1x16xf32> to vector<16xf32>
      %swap3A_448 = vector.shape_cast %broadcast_in_dim3A_122 : vector<16xf32> to vector<1x16xf32>
      tpu.vector_store %arg35[%swap3A_444, %swap3A_445], %swap3A_448 {strides = array<i32>} : memref<512x128xf32, #tpu.memory_space<vmem>>, vector<1x16xf32>,
      %swap3A_449 = arith.index_cast %scan3A_428 : i32 to index
      %swap3A_450 = arith.constant 64 : index
      %swap3A_451 = tpu.vector_load %arg35[%swap3A_449, %swap3A_450] {strides = array<i32>} : memref<512x128xf32, #tpu.memory_space<vmem>>, vector<1x16xf32>,
      %swap3A_452 = vector.shape_cast %swap3A_451 : vector<1x16xf32> to vector<16xf32>
      %swap3A_453 = vector.shape_cast %broadcast_in_dim3A_122 : vector<16xf32> to vector<1x16xf32>
      tpu.vector_store %arg35[%swap3A_449, %swap3A_450], %swap3A_453 {strides = array<i32>} : memref<512x128xf32, #tpu.memory_space<vmem>>, vector<1x16xf32>,
      %swap3A_454 = arith.index_cast %scan3A_428 : i32 to index
      %swap3A_455 = arith.constant 80 : index
      %swap3A_456 = tpu.vector_load %arg35[%swap3A_454, %swap3A_455] {strides = array<i32>} : memref<512x128xf32, #tpu.memory_space<vmem>>, vector<1x16xf32>,
      %swap3A_457 = vector.shape_cast %swap3A_456 : vector<1x16xf32> to vector<16xf32>
      %swap3A_458 = vector.shape_cast %broadcast_in_dim3A_122 : vector<16xf32> to vector<1x16xf32>
      tpu.vector_store %arg35[%swap3A_454, %swap3A_455], %swap3A_458 {strides = array<i32>} : memref<512x128xf32, #tpu.memory_space<vmem>>, vector<1x16xf32>,
      %swap3A_459 = arith.index_cast %scan3A_428 : i32 to index
      %swap3A_460 = arith.constant 96 : index
      %swap3A_461 = tpu.vector_load %arg35[%swap3A_459, %swap3A_460] {strides = array<i32>} : memref<512x128xf32, #tpu.memory_space<vmem>>, vector<1x16xf32>,
      %swap3A_462 = vector.shape_cast %swap3A_461 : vector<1x16xf32> to vector<16xf32>
      %swap3A_463 = vector.shape_cast %broadcast_in_dim3A_122 : vector<16xf32> to vector<1x16xf32>
      tpu.vector_store %arg35[%swap3A_459, %swap3A_460], %swap3A_463 {strides = array<i32>} : memref<512x128xf32, #tpu.memory_space<vmem>>, vector<1x16xf32>,
      %swap3A_464 = arith.index_cast %scan3A_428 : i32 to index
      %swap3A_465 = arith.constant 112 : index
      %swap3A_466 = tpu.vector_load %arg35[%swap3A_464, %swap3A_465] {strides = array<i32>} : memref<512x128xf32, #tpu.memory_space<vmem>>, vector<1x16xf32>,
      %swap3A_467 = vector.shape_cast %swap3A_466 : vector<1x16xf32> to vector<16xf32>
      %swap3A_468 = vector.shape_cast %broadcast_in_dim3A_122 : vector<16xf32> to vector<1x16xf32>
      tpu.vector_store %arg35[%swap3A_464, %swap3A_465], %swap3A_468 {strides = array<i32>} : memref<512x128xf32, #tpu.memory_space<vmem>>, vector<1x16xf32>,
      %scan3A_469 = arith.constant 0 : i32
      scf.yield %scan3A_469 : i32
    }
    %scan3A_128 = arith.constant 512 : i32
    %add3A_129 = arith.constant 0 : i32
    %add3A_130 = arith.addi %add3A_129, %mul3A_2 : i32
    %dma_wait3A = tpu.memref_slice %arg2[%add3A_130] : memref<491520xi32, #tpu.memory_space<hbm>> -> memref<512xi32, #tpu.memory_space<hbm>>
    %dma_wait3A_131 = tpu.memref_slice %arg2[%add3A_130] : memref<491520xi32, #tpu.memory_space<hbm>> -> memref<512xi32, #tpu.memory_space<hbm>>
    tpu.wait_dma2 semaphore(%arg36 : memref<!tpu.dma_semaphore, #tpu.memory_space<semaphore_mem>>) src(%dma_wait3A_131 : memref<512xi32, #tpu.memory_space<hbm>>) dst(%arg5 : memref<512xi32, #tpu.memory_space<vmem>>)
    %dma_start3A_132 = arith.constant 0 : i32
    %dma_start3A_133 = arith.constant 0 : i32
    %dma_start3A_134 = tpu.memref_slice %arg3[%dma_start3A_132, %dma_start3A_133] : memref<40960x128xf32, #tpu.memory_space<hbm>> -> memref<40960x128xf32, #tpu.memory_space<hbm>>
    tpu.enqueue_indirect_dma source(%dma_start3A_134 : memref<40960x128xf32, #tpu.memory_space<hbm>>) target(%arg35 : memref<512x128xf32, #tpu.memory_space<vmem>>) offsets(%arg5 : memref<512xi32, #tpu.memory_space<vmem>>) semaphore(%arg37 : memref<!tpu.dma_semaphore, #tpu.memory_space<semaphore_mem>>) {add = true}
    %add3A_135 = arith.constant 16384 : i32
    %add3A_136 = arith.addi %add3A_135, %mul3A_2 : i32
    %dma_wait3A_137 = tpu.memref_slice %arg2[%add3A_136] : memref<491520xi32, #tpu.memory_space<hbm>> -> memref<512xi32, #tpu.memory_space<hbm>>
    %dma_wait3A_138 = tpu.memref_slice %arg2[%add3A_136] : memref<491520xi32, #tpu.memory_space<hbm>> -> memref<512xi32, #tpu.memory_space<hbm>>
    tpu.wait_dma2 semaphore(%arg36 : memref<!tpu.dma_semaphore, #tpu.memory_space<semaphore_mem>>) src(%dma_wait3A_138 : memref<512xi32, #tpu.memory_space<hbm>>) dst(%arg6 : memref<512xi32, #tpu.memory_space<vmem>>)
    %dma_start3A_139 = arith.constant 0 : i32
    %dma_start3A_140 = arith.constant 0 : i32
    %dma_start3A_141 = tpu.memref_slice %arg3[%dma_start3A_139, %dma_start3A_140] : memref<40960x128xf32, #tpu.memory_space<hbm>> -> memref<40960x128xf32, #tpu.memory_space<hbm>>
    tpu.enqueue_indirect_dma source(%dma_start3A_141 : memref<40960x128xf32, #tpu.memory_space<hbm>>) target(%arg35 : memref<512x128xf32, #tpu.memory_space<vmem>>) offsets(%arg6 : memref<512xi32, #tpu.memory_space<vmem>>) semaphore(%arg37 : memref<!tpu.dma_semaphore, #tpu.memory_space<semaphore_mem>>) {add = true}
    %add3A_142 = arith.constant 32768 : i32
    %add3A_143 = arith.addi %add3A_142, %mul3A_2 : i32
    %dma_wait3A_144 = tpu.memref_slice %arg2[%add3A_143] : memref<491520xi32, #tpu.memory_space<hbm>> -> memref<512xi32, #tpu.memory_space<hbm>>
    %dma_wait3A_145 = tpu.memref_slice %arg2[%add3A_143] : memref<491520xi32, #tpu.memory_space<hbm>> -> memref<512xi32, #tpu.memory_space<hbm>>
    tpu.wait_dma2 semaphore(%arg36 : memref<!tpu.dma_semaphore, #tpu.memory_space<semaphore_mem>>) src(%dma_wait3A_145 : memref<512xi32, #tpu.memory_space<hbm>>) dst(%arg7 : memref<512xi32, #tpu.memory_space<vmem>>)
    %dma_start3A_146 = arith.constant 0 : i32
    %dma_start3A_147 = arith.constant 0 : i32
    %dma_start3A_148 = tpu.memref_slice %arg3[%dma_start3A_146, %dma_start3A_147] : memref<40960x128xf32, #tpu.memory_space<hbm>> -> memref<40960x128xf32, #tpu.memory_space<hbm>>
    tpu.enqueue_indirect_dma source(%dma_start3A_148 : memref<40960x128xf32, #tpu.memory_space<hbm>>) target(%arg35 : memref<512x128xf32, #tpu.memory_space<vmem>>) offsets(%arg7 : memref<512xi32, #tpu.memory_space<vmem>>) semaphore(%arg37 : memref<!tpu.dma_semaphore, #tpu.memory_space<semaphore_mem>>) {add = true}
    %add3A_149 = arith.constant 49152 : i32
    %add3A_150 = arith.addi %add3A_149, %mul3A_2 : i32
    %dma_wait3A_151 = tpu.memref_slice %arg2[%add3A_150] : memref<491520xi32, #tpu.memory_space<hbm>> -> memref<512xi32, #tpu.memory_space<hbm>>
    %dma_wait3A_152 = tpu.memref_slice %arg2[%add3A_150] : memref<491520xi32, #tpu.memory_space<hbm>> -> memref<512xi32, #tpu.memory_space<hbm>>
    tpu.wait_dma2 semaphore(%arg36 : memref<!tpu.dma_semaphore, #tpu.memory_space<semaphore_mem>>) src(%dma_wait3A_152 : memref<512xi32, #tpu.memory_space<hbm>>) dst(%arg8 : memref<512xi32, #tpu.memory_space<vmem>>)
    %dma_start3A_153 = arith.constant 0 : i32
    %dma_start3A_154 = arith.constant 0 : i32
    %dma_start3A_155 = tpu.memref_slice %arg3[%dma_start3A_153, %dma_start3A_154] : memref<40960x128xf32, #tpu.memory_space<hbm>> -> memref<40960x128xf32, #tpu.memory_space<hbm>>
    tpu.enqueue_indirect_dma source(%dma_start3A_155 : memref<40960x128xf32, #tpu.memory_space<hbm>>) target(%arg35 : memref<512x128xf32, #tpu.memory_space<vmem>>) offsets(%arg8 : memref<512xi32, #tpu.memory_space<vmem>>) semaphore(%arg37 : memref<!tpu.dma_semaphore, #tpu.memory_space<semaphore_mem>>) {add = true}
    %add3A_156 = arith.constant 65536 : i32
    %add3A_157 = arith.addi %add3A_156, %mul3A_2 : i32
    %dma_wait3A_158 = tpu.memref_slice %arg2[%add3A_157] : memref<491520xi32, #tpu.memory_space<hbm>> -> memref<512xi32, #tpu.memory_space<hbm>>
    %dma_wait3A_159 = tpu.memref_slice %arg2[%add3A_157] : memref<491520xi32, #tpu.memory_space<hbm>> -> memref<512xi32, #tpu.memory_space<hbm>>
    tpu.wait_dma2 semaphore(%arg36 : memref<!tpu.dma_semaphore, #tpu.memory_space<semaphore_mem>>) src(%dma_wait3A_159 : memref<512xi32, #tpu.memory_space<hbm>>) dst(%arg9 : memref<512xi32, #tpu.memory_space<vmem>>)
    %dma_start3A_160 = arith.constant 0 : i32
    %dma_start3A_161 = arith.constant 0 : i32
    %dma_start3A_162 = tpu.memref_slice %arg3[%dma_start3A_160, %dma_start3A_161] : memref<40960x128xf32, #tpu.memory_space<hbm>> -> memref<40960x128xf32, #tpu.memory_space<hbm>>
    tpu.enqueue_indirect_dma source(%dma_start3A_162 : memref<40960x128xf32, #tpu.memory_space<hbm>>) target(%arg35 : memref<512x128xf32, #tpu.memory_space<vmem>>) offsets(%arg9 : memref<512xi32, #tpu.memory_space<vmem>>) semaphore(%arg37 : memref<!tpu.dma_semaphore, #tpu.memory_space<semaphore_mem>>) {add = true}
    %add3A_163 = arith.constant 81920 : i32
    %add3A_164 = arith.addi %add3A_163, %mul3A_2 : i32
    %dma_wait3A_165 = tpu.memref_slice %arg2[%add3A_164] : memref<491520xi32, #tpu.memory_space<hbm>> -> memref<512xi32, #tpu.memory_space<hbm>>
    %dma_wait3A_166 = tpu.memref_slice %arg2[%add3A_164] : memref<491520xi32, #tpu.memory_space<hbm>> -> memref<512xi32, #tpu.memory_space<hbm>>
    tpu.wait_dma2 semaphore(%arg36 : memref<!tpu.dma_semaphore, #tpu.memory_space<semaphore_mem>>) src(%dma_wait3A_166 : memref<512xi32, #tpu.memory_space<hbm>>) dst(%arg10 : memref<512xi32, #tpu.memory_space<vmem>>)
    %dma_start3A_167 = arith.constant 0 : i32
    %dma_start3A_168 = arith.constant 0 : i32
    %dma_start3A_169 = tpu.memref_slice %arg3[%dma_start3A_167, %dma_start3A_168] : memref<40960x128xf32, #tpu.memory_space<hbm>> -> memref<40960x128xf32, #tpu.memory_space<hbm>>
    tpu.enqueue_indirect_dma source(%dma_start3A_169 : memref<40960x128xf32, #tpu.memory_space<hbm>>) target(%arg35 : memref<512x128xf32, #tpu.memory_space<vmem>>) offsets(%arg10 : memref<512xi32, #tpu.memory_space<vmem>>) semaphore(%arg37 : memref<!tpu.dma_semaphore, #tpu.memory_space<semaphore_mem>>) {add = true}
    %add3A_170 = arith.constant 98304 : i32
    %add3A_171 = arith.addi %add3A_170, %mul3A_2 : i32
    %dma_wait3A_172 = tpu.memref_slice %arg2[%add3A_171] : memref<491520xi32, #tpu.memory_space<hbm>> -> memref<512xi32, #tpu.memory_space<hbm>>
    %dma_wait3A_173 = tpu.memref_slice %arg2[%add3A_171] : memref<491520xi32, #tpu.memory_space<hbm>> -> memref<512xi32, #tpu.memory_space<hbm>>
    tpu.wait_dma2 semaphore(%arg36 : memref<!tpu.dma_semaphore, #tpu.memory_space<semaphore_mem>>) src(%dma_wait3A_173 : memref<512xi32, #tpu.memory_space<hbm>>) dst(%arg11 : memref<512xi32, #tpu.memory_space<vmem>>)
    %dma_start3A_174 = arith.constant 0 : i32
    %dma_start3A_175 = arith.constant 0 : i32
    %dma_start3A_176 = tpu.memref_slice %arg3[%dma_start3A_174, %dma_start3A_175] : memref<40960x128xf32, #tpu.memory_space<hbm>> -> memref<40960x128xf32, #tpu.memory_space<hbm>>
    tpu.enqueue_indirect_dma source(%dma_start3A_176 : memref<40960x128xf32, #tpu.memory_space<hbm>>) target(%arg35 : memref<512x128xf32, #tpu.memory_space<vmem>>) offsets(%arg11 : memref<512xi32, #tpu.memory_space<vmem>>) semaphore(%arg37 : memref<!tpu.dma_semaphore, #tpu.memory_space<semaphore_mem>>) {add = true}
    %add3A_177 = arith.constant 114688 : i32
    %add3A_178 = arith.addi %add3A_177, %mul3A_2 : i32
    %dma_wait3A_179 = tpu.memref_slice %arg2[%add3A_178] : memref<491520xi32, #tpu.memory_space<hbm>> -> memref<512xi32, #tpu.memory_space<hbm>>
    %dma_wait3A_180 = tpu.memref_slice %arg2[%add3A_178] : memref<491520xi32, #tpu.memory_space<hbm>> -> memref<512xi32, #tpu.memory_space<hbm>>
    tpu.wait_dma2 semaphore(%arg36 : memref<!tpu.dma_semaphore, #tpu.memory_space<semaphore_mem>>) src(%dma_wait3A_180 : memref<512xi32, #tpu.memory_space<hbm>>) dst(%arg12 : memref<512xi32, #tpu.memory_space<vmem>>)
    %dma_start3A_181 = arith.constant 0 : i32
    %dma_start3A_182 = arith.constant 0 : i32
    %dma_start3A_183 = tpu.memref_slice %arg3[%dma_start3A_181, %dma_start3A_182] : memref<40960x128xf32, #tpu.memory_space<hbm>> -> memref<40960x128xf32, #tpu.memory_space<hbm>>
    tpu.enqueue_indirect_dma source(%dma_start3A_183 : memref<40960x128xf32, #tpu.memory_space<hbm>>) target(%arg35 : memref<512x128xf32, #tpu.memory_space<vmem>>) offsets(%arg12 : memref<512xi32, #tpu.memory_space<vmem>>) semaphore(%arg37 : memref<!tpu.dma_semaphore, #tpu.memory_space<semaphore_mem>>) {add = true}
    %add3A_184 = arith.constant 131072 : i32
    %add3A_185 = arith.addi %add3A_184, %mul3A_2 : i32
    %dma_wait3A_186 = tpu.memref_slice %arg2[%add3A_185] : memref<491520xi32, #tpu.memory_space<hbm>> -> memref<512xi32, #tpu.memory_space<hbm>>
    %dma_wait3A_187 = tpu.memref_slice %arg2[%add3A_185] : memref<491520xi32, #tpu.memory_space<hbm>> -> memref<512xi32, #tpu.memory_space<hbm>>
    tpu.wait_dma2 semaphore(%arg36 : memref<!tpu.dma_semaphore, #tpu.memory_space<semaphore_mem>>) src(%dma_wait3A_187 : memref<512xi32, #tpu.memory_space<hbm>>) dst(%arg13 : memref<512xi32, #tpu.memory_space<vmem>>)
    %dma_start3A_188 = arith.constant 0 : i32
    %dma_start3A_189 = arith.constant 0 : i32
    %dma_start3A_190 = tpu.memref_slice %arg3[%dma_start3A_188, %dma_start3A_189] : memref<40960x128xf32, #tpu.memory_space<hbm>> -> memref<40960x128xf32, #tpu.memory_space<hbm>>
    tpu.enqueue_indirect_dma source(%dma_start3A_190 : memref<40960x128xf32, #tpu.memory_space<hbm>>) target(%arg35 : memref<512x128xf32, #tpu.memory_space<vmem>>) offsets(%arg13 : memref<512xi32, #tpu.memory_space<vmem>>) semaphore(%arg37 : memref<!tpu.dma_semaphore, #tpu.memory_space<semaphore_mem>>) {add = true}
    %add3A_191 = arith.constant 147456 : i32
    %add3A_192 = arith.addi %add3A_191, %mul3A_2 : i32
    %dma_wait3A_193 = tpu.memref_slice %arg2[%add3A_192] : memref<491520xi32, #tpu.memory_space<hbm>> -> memref<512xi32, #tpu.memory_space<hbm>>
    %dma_wait3A_194 = tpu.memref_slice %arg2[%add3A_192] : memref<491520xi32, #tpu.memory_space<hbm>> -> memref<512xi32, #tpu.memory_space<hbm>>
    tpu.wait_dma2 semaphore(%arg36 : memref<!tpu.dma_semaphore, #tpu.memory_space<semaphore_mem>>) src(%dma_wait3A_194 : memref<512xi32, #tpu.memory_space<hbm>>) dst(%arg14 : memref<512xi32, #tpu.memory_space<vmem>>)
    %dma_start3A_195 = arith.constant 0 : i32
    %dma_start3A_196 = arith.constant 0 : i32
    %dma_start3A_197 = tpu.memref_slice %arg3[%dma_start3A_195, %dma_start3A_196] : memref<40960x128xf32, #tpu.memory_space<hbm>> -> memref<40960x128xf32, #tpu.memory_space<hbm>>
    tpu.enqueue_indirect_dma source(%dma_start3A_197 : memref<40960x128xf32, #tpu.memory_space<hbm>>) target(%arg35 : memref<512x128xf32, #tpu.memory_space<vmem>>) offsets(%arg14 : memref<512xi32, #tpu.memory_space<vmem>>) semaphore(%arg37 : memref<!tpu.dma_semaphore, #tpu.memory_space<semaphore_mem>>) {add = true}
    %add3A_198 = arith.constant 163840 : i32
    %add3A_199 = arith.addi %add3A_198, %mul3A_2 : i32
    %dma_wait3A_200 = tpu.memref_slice %arg2[%add3A_199] : memref<491520xi32, #tpu.memory_space<hbm>> -> memref<512xi32, #tpu.memory_space<hbm>>
    %dma_wait3A_201 = tpu.memref_slice %arg2[%add3A_199] : memref<491520xi32, #tpu.memory_space<hbm>> -> memref<512xi32, #tpu.memory_space<hbm>>
    tpu.wait_dma2 semaphore(%arg36 : memref<!tpu.dma_semaphore, #tpu.memory_space<semaphore_mem>>) src(%dma_wait3A_201 : memref<512xi32, #tpu.memory_space<hbm>>) dst(%arg15 : memref<512xi32, #tpu.memory_space<vmem>>)
    %dma_start3A_202 = arith.constant 0 : i32
    %dma_start3A_203 = arith.constant 0 : i32
    %dma_start3A_204 = tpu.memref_slice %arg3[%dma_start3A_202, %dma_start3A_203] : memref<40960x128xf32, #tpu.memory_space<hbm>> -> memref<40960x128xf32, #tpu.memory_space<hbm>>
    tpu.enqueue_indirect_dma source(%dma_start3A_204 : memref<40960x128xf32, #tpu.memory_space<hbm>>) target(%arg35 : memref<512x128xf32, #tpu.memory_space<vmem>>) offsets(%arg15 : memref<512xi32, #tpu.memory_space<vmem>>) semaphore(%arg37 : memref<!tpu.dma_semaphore, #tpu.memory_space<semaphore_mem>>) {add = true}
    %add3A_205 = arith.constant 180224 : i32
    %add3A_206 = arith.addi %add3A_205, %mul3A_2 : i32
    %dma_wait3A_207 = tpu.memref_slice %arg2[%add3A_206] : memref<491520xi32, #tpu.memory_space<hbm>> -> memref<512xi32, #tpu.memory_space<hbm>>
    %dma_wait3A_208 = tpu.memref_slice %arg2[%add3A_206] : memref<491520xi32, #tpu.memory_space<hbm>> -> memref<512xi32, #tpu.memory_space<hbm>>
    tpu.wait_dma2 semaphore(%arg36 : memref<!tpu.dma_semaphore, #tpu.memory_space<semaphore_mem>>) src(%dma_wait3A_208 : memref<512xi32, #tpu.memory_space<hbm>>) dst(%arg16 : memref<512xi32, #tpu.memory_space<vmem>>)
    %dma_start3A_209 = arith.constant 0 : i32
    %dma_start3A_210 = arith.constant 0 : i32
    %dma_start3A_211 = tpu.memref_slice %arg3[%dma_start3A_209, %dma_start3A_210] : memref<40960x128xf32, #tpu.memory_space<hbm>> -> memref<40960x128xf32, #tpu.memory_space<hbm>>
    tpu.enqueue_indirect_dma source(%dma_start3A_211 : memref<40960x128xf32, #tpu.memory_space<hbm>>) target(%arg35 : memref<512x128xf32, #tpu.memory_space<vmem>>) offsets(%arg16 : memref<512xi32, #tpu.memory_space<vmem>>) semaphore(%arg37 : memref<!tpu.dma_semaphore, #tpu.memory_space<semaphore_mem>>) {add = true}
    %add3A_212 = arith.constant 196608 : i32
    %add3A_213 = arith.addi %add3A_212, %mul3A_2 : i32
    %dma_wait3A_214 = tpu.memref_slice %arg2[%add3A_213] : memref<491520xi32, #tpu.memory_space<hbm>> -> memref<512xi32, #tpu.memory_space<hbm>>
    %dma_wait3A_215 = tpu.memref_slice %arg2[%add3A_213] : memref<491520xi32, #tpu.memory_space<hbm>> -> memref<512xi32, #tpu.memory_space<hbm>>
    tpu.wait_dma2 semaphore(%arg36 : memref<!tpu.dma_semaphore, #tpu.memory_space<semaphore_mem>>) src(%dma_wait3A_215 : memref<512xi32, #tpu.memory_space<hbm>>) dst(%arg17 : memref<512xi32, #tpu.memory_space<vmem>>)
    %dma_start3A_216 = arith.constant 0 : i32
    %dma_start3A_217 = arith.constant 0 : i32
    %dma_start3A_218 = tpu.memref_slice %arg3[%dma_start3A_216, %dma_start3A_217] : memref<40960x128xf32, #tpu.memory_space<hbm>> -> memref<40960x128xf32, #tpu.memory_space<hbm>>
    tpu.enqueue_indirect_dma source(%dma_start3A_218 : memref<40960x128xf32, #tpu.memory_space<hbm>>) target(%arg35 : memref<512x128xf32, #tpu.memory_space<vmem>>) offsets(%arg17 : memref<512xi32, #tpu.memory_space<vmem>>) semaphore(%arg37 : memref<!tpu.dma_semaphore, #tpu.memory_space<semaphore_mem>>) {add = true}
    %add3A_219 = arith.constant 212992 : i32
    %add3A_220 = arith.addi %add3A_219, %mul3A_2 : i32
    %dma_wait3A_221 = tpu.memref_slice %arg2[%add3A_220] : memref<491520xi32, #tpu.memory_space<hbm>> -> memref<512xi32, #tpu.memory_space<hbm>>
    %dma_wait3A_222 = tpu.memref_slice %arg2[%add3A_220] : memref<491520xi32, #tpu.memory_space<hbm>> -> memref<512xi32, #tpu.memory_space<hbm>>
    tpu.wait_dma2 semaphore(%arg36 : memref<!tpu.dma_semaphore, #tpu.memory_space<semaphore_mem>>) src(%dma_wait3A_222 : memref<512xi32, #tpu.memory_space<hbm>>) dst(%arg18 : memref<512xi32, #tpu.memory_space<vmem>>)
    %dma_start3A_223 = arith.constant 0 : i32
    %dma_start3A_224 = arith.constant 0 : i32
    %dma_start3A_225 = tpu.memref_slice %arg3[%dma_start3A_223, %dma_start3A_224] : memref<40960x128xf32, #tpu.memory_space<hbm>> -> memref<40960x128xf32, #tpu.memory_space<hbm>>
    tpu.enqueue_indirect_dma source(%dma_start3A_225 : memref<40960x128xf32, #tpu.memory_space<hbm>>) target(%arg35 : memref<512x128xf32, #tpu.memory_space<vmem>>) offsets(%arg18 : memref<512xi32, #tpu.memory_space<vmem>>) semaphore(%arg37 : memref<!tpu.dma_semaphore, #tpu.memory_space<semaphore_mem>>) {add = true}
    %add3A_226 = arith.constant 229376 : i32
    %add3A_227 = arith.addi %add3A_226, %mul3A_2 : i32
    %dma_wait3A_228 = tpu.memref_slice %arg2[%add3A_227] : memref<491520xi32, #tpu.memory_space<hbm>> -> memref<512xi32, #tpu.memory_space<hbm>>
    %dma_wait3A_229 = tpu.memref_slice %arg2[%add3A_227] : memref<491520xi32, #tpu.memory_space<hbm>> -> memref<512xi32, #tpu.memory_space<hbm>>
    tpu.wait_dma2 semaphore(%arg36 : memref<!tpu.dma_semaphore, #tpu.memory_space<semaphore_mem>>) src(%dma_wait3A_229 : memref<512xi32, #tpu.memory_space<hbm>>) dst(%arg19 : memref<512xi32, #tpu.memory_space<vmem>>)
    %dma_start3A_230 = arith.constant 0 : i32
    %dma_start3A_231 = arith.constant 0 : i32
    %dma_start3A_232 = tpu.memref_slice %arg3[%dma_start3A_230, %dma_start3A_231] : memref<40960x128xf32, #tpu.memory_space<hbm>> -> memref<40960x128xf32, #tpu.memory_space<hbm>>
    tpu.enqueue_indirect_dma source(%dma_start3A_232 : memref<40960x128xf32, #tpu.memory_space<hbm>>) target(%arg35 : memref<512x128xf32, #tpu.memory_space<vmem>>) offsets(%arg19 : memref<512xi32, #tpu.memory_space<vmem>>) semaphore(%arg37 : memref<!tpu.dma_semaphore, #tpu.memory_space<semaphore_mem>>) {add = true}
    %add3A_233 = arith.constant 245760 : i32
    %add3A_234 = arith.addi %add3A_233, %mul3A_2 : i32
    %dma_wait3A_235 = tpu.memref_slice %arg2[%add3A_234] : memref<491520xi32, #tpu.memory_space<hbm>> -> memref<512xi32, #tpu.memory_space<hbm>>
    %dma_wait3A_236 = tpu.memref_slice %arg2[%add3A_234] : memref<491520xi32, #tpu.memory_space<hbm>> -> memref<512xi32, #tpu.memory_space<hbm>>
    tpu.wait_dma2 semaphore(%arg36 : memref<!tpu.dma_semaphore, #tpu.memory_space<semaphore_mem>>) src(%dma_wait3A_236 : memref<512xi32, #tpu.memory_space<hbm>>) dst(%arg20 : memref<512xi32, #tpu.memory_space<vmem>>)
    %dma_start3A_237 = arith.constant 0 : i32
    %dma_start3A_238 = arith.constant 0 : i32
    %dma_start3A_239 = tpu.memref_slice %arg3[%dma_start3A_237, %dma_start3A_238] : memref<40960x128xf32, #tpu.memory_space<hbm>> -> memref<40960x128xf32, #tpu.memory_space<hbm>>
    tpu.enqueue_indirect_dma source(%dma_start3A_239 : memref<40960x128xf32, #tpu.memory_space<hbm>>) target(%arg35 : memref<512x128xf32, #tpu.memory_space<vmem>>) offsets(%arg20 : memref<512xi32, #tpu.memory_space<vmem>>) semaphore(%arg37 : memref<!tpu.dma_semaphore, #tpu.memory_space<semaphore_mem>>) {add = true}
    %add3A_240 = arith.constant 262144 : i32
    %add3A_241 = arith.addi %add3A_240, %mul3A_2 : i32
    %dma_wait3A_242 = tpu.memref_slice %arg2[%add3A_241] : memref<491520xi32, #tpu.memory_space<hbm>> -> memref<512xi32, #tpu.memory_space<hbm>>
    %dma_wait3A_243 = tpu.memref_slice %arg2[%add3A_241] : memref<491520xi32, #tpu.memory_space<hbm>> -> memref<512xi32, #tpu.memory_space<hbm>>
    tpu.wait_dma2 semaphore(%arg36 : memref<!tpu.dma_semaphore, #tpu.memory_space<semaphore_mem>>) src(%dma_wait3A_243 : memref<512xi32, #tpu.memory_space<hbm>>) dst(%arg21 : memref<512xi32, #tpu.memory_space<vmem>>)
    %dma_start3A_244 = arith.constant 0 : i32
    %dma_start3A_245 = arith.constant 0 : i32
    %dma_start3A_246 = tpu.memref_slice %arg3[%dma_start3A_244, %dma_start3A_245] : memref<40960x128xf32, #tpu.memory_space<hbm>> -> memref<40960x128xf32, #tpu.memory_space<hbm>>
    tpu.enqueue_indirect_dma source(%dma_start3A_246 : memref<40960x128xf32, #tpu.memory_space<hbm>>) target(%arg35 : memref<512x128xf32, #tpu.memory_space<vmem>>) offsets(%arg21 : memref<512xi32, #tpu.memory_space<vmem>>) semaphore(%arg37 : memref<!tpu.dma_semaphore, #tpu.memory_space<semaphore_mem>>) {add = true}
    %add3A_247 = arith.constant 278528 : i32
    %add3A_248 = arith.addi %add3A_247, %mul3A_2 : i32
    %dma_wait3A_249 = tpu.memref_slice %arg2[%add3A_248] : memref<491520xi32, #tpu.memory_space<hbm>> -> memref<512xi32, #tpu.memory_space<hbm>>
    %dma_wait3A_250 = tpu.memref_slice %arg2[%add3A_248] : memref<491520xi32, #tpu.memory_space<hbm>> -> memref<512xi32, #tpu.memory_space<hbm>>
    tpu.wait_dma2 semaphore(%arg36 : memref<!tpu.dma_semaphore, #tpu.memory_space<semaphore_mem>>) src(%dma_wait3A_250 : memref<512xi32, #tpu.memory_space<hbm>>) dst(%arg22 : memref<512xi32, #tpu.memory_space<vmem>>)
    %dma_start3A_251 = arith.constant 0 : i32
    %dma_start3A_252 = arith.constant 0 : i32
    %dma_start3A_253 = tpu.memref_slice %arg3[%dma_start3A_251, %dma_start3A_252] : memref<40960x128xf32, #tpu.memory_space<hbm>> -> memref<40960x128xf32, #tpu.memory_space<hbm>>
    tpu.enqueue_indirect_dma source(%dma_start3A_253 : memref<40960x128xf32, #tpu.memory_space<hbm>>) target(%arg35 : memref<512x128xf32, #tpu.memory_space<vmem>>) offsets(%arg22 : memref<512xi32, #tpu.memory_space<vmem>>) semaphore(%arg37 : memref<!tpu.dma_semaphore, #tpu.memory_space<semaphore_mem>>) {add = true}
    %add3A_254 = arith.constant 294912 : i32
    %add3A_255 = arith.addi %add3A_254, %mul3A_2 : i32
    %dma_wait3A_256 = tpu.memref_slice %arg2[%add3A_255] : memref<491520xi32, #tpu.memory_space<hbm>> -> memref<512xi32, #tpu.memory_space<hbm>>
    %dma_wait3A_257 = tpu.memref_slice %arg2[%add3A_255] : memref<491520xi32, #tpu.memory_space<hbm>> -> memref<512xi32, #tpu.memory_space<hbm>>
    tpu.wait_dma2 semaphore(%arg36 : memref<!tpu.dma_semaphore, #tpu.memory_space<semaphore_mem>>) src(%dma_wait3A_257 : memref<512xi32, #tpu.memory_space<hbm>>) dst(%arg23 : memref<512xi32, #tpu.memory_space<vmem>>)
    %dma_start3A_258 = arith.constant 0 : i32
    %dma_start3A_259 = arith.constant 0 : i32
    %dma_start3A_260 = tpu.memref_slice %arg3[%dma_start3A_258, %dma_start3A_259] : memref<40960x128xf32, #tpu.memory_space<hbm>> -> memref<40960x128xf32, #tpu.memory_space<hbm>>
    tpu.enqueue_indirect_dma source(%dma_start3A_260 : memref<40960x128xf32, #tpu.memory_space<hbm>>) target(%arg35 : memref<512x128xf32, #tpu.memory_space<vmem>>) offsets(%arg23 : memref<512xi32, #tpu.memory_space<vmem>>) semaphore(%arg37 : memref<!tpu.dma_semaphore, #tpu.memory_space<semaphore_mem>>) {add = true}
    %add3A_261 = arith.constant 311296 : i32
    %add3A_262 = arith.addi %add3A_261, %mul3A_2 : i32
    %dma_wait3A_263 = tpu.memref_slice %arg2[%add3A_262] : memref<491520xi32, #tpu.memory_space<hbm>> -> memref<512xi32, #tpu.memory_space<hbm>>
    %dma_wait3A_264 = tpu.memref_slice %arg2[%add3A_262] : memref<491520xi32, #tpu.memory_space<hbm>> -> memref<512xi32, #tpu.memory_space<hbm>>
    tpu.wait_dma2 semaphore(%arg36 : memref<!tpu.dma_semaphore, #tpu.memory_space<semaphore_mem>>) src(%dma_wait3A_264 : memref<512xi32, #tpu.memory_space<hbm>>) dst(%arg24 : memref<512xi32, #tpu.memory_space<vmem>>)
    %dma_start3A_265 = arith.constant 0 : i32
    %dma_start3A_266 = arith.constant 0 : i32
    %dma_start3A_267 = tpu.memref_slice %arg3[%dma_start3A_265, %dma_start3A_266] : memref<40960x128xf32, #tpu.memory_space<hbm>> -> memref<40960x128xf32, #tpu.memory_space<hbm>>
    tpu.enqueue_indirect_dma source(%dma_start3A_267 : memref<40960x128xf32, #tpu.memory_space<hbm>>) target(%arg35 : memref<512x128xf32, #tpu.memory_space<vmem>>) offsets(%arg24 : memref<512xi32, #tpu.memory_space<vmem>>) semaphore(%arg37 : memref<!tpu.dma_semaphore, #tpu.memory_space<semaphore_mem>>) {add = true}
    %add3A_268 = arith.constant 327680 : i32
    %add3A_269 = arith.addi %add3A_268, %mul3A_2 : i32
    %dma_wait3A_270 = tpu.memref_slice %arg2[%add3A_269] : memref<491520xi32, #tpu.memory_space<hbm>> -> memref<512xi32, #tpu.memory_space<hbm>>
    %dma_wait3A_271 = tpu.memref_slice %arg2[%add3A_269] : memref<491520xi32, #tpu.memory_space<hbm>> -> memref<512xi32, #tpu.memory_space<hbm>>
    tpu.wait_dma2 semaphore(%arg36 : memref<!tpu.dma_semaphore, #tpu.memory_space<semaphore_mem>>) src(%dma_wait3A_271 : memref<512xi32, #tpu.memory_space<hbm>>) dst(%arg25 : memref<512xi32, #tpu.memory_space<vmem>>)
    %dma_start3A_272 = arith.constant 0 : i32
    %dma_start3A_273 = arith.constant 0 : i32
    %dma_start3A_274 = tpu.memref_slice %arg3[%dma_start3A_272, %dma_start3A_273] : memref<40960x128xf32, #tpu.memory_space<hbm>> -> memref<40960x128xf32, #tpu.memory_space<hbm>>
    tpu.enqueue_indirect_dma source(%dma_start3A_274 : memref<40960x128xf32, #tpu.memory_space<hbm>>) target(%arg35 : memref<512x128xf32, #tpu.memory_space<vmem>>) offsets(%arg25 : memref<512xi32, #tpu.memory_space<vmem>>) semaphore(%arg37 : memref<!tpu.dma_semaphore, #tpu.memory_space<semaphore_mem>>) {add = true}
    %add3A_275 = arith.constant 344064 : i32
    %add3A_276 = arith.addi %add3A_275, %mul3A_2 : i32
    %dma_wait3A_277 = tpu.memref_slice %arg2[%add3A_276] : memref<491520xi32, #tpu.memory_space<hbm>> -> memref<512xi32, #tpu.memory_space<hbm>>
    %dma_wait3A_278 = tpu.memref_slice %arg2[%add3A_276] : memref<491520xi32, #tpu.memory_space<hbm>> -> memref<512xi32, #tpu.memory_space<hbm>>
    tpu.wait_dma2 semaphore(%arg36 : memref<!tpu.dma_semaphore, #tpu.memory_space<semaphore_mem>>) src(%dma_wait3A_278 : memref<512xi32, #tpu.memory_space<hbm>>) dst(%arg26 : memref<512xi32, #tpu.memory_space<vmem>>)
    %dma_start3A_279 = arith.constant 0 : i32
    %dma_start3A_280 = arith.constant 0 : i32
    %dma_start3A_281 = tpu.memref_slice %arg3[%dma_start3A_279, %dma_start3A_280] : memref<40960x128xf32, #tpu.memory_space<hbm>> -> memref<40960x128xf32, #tpu.memory_space<hbm>>
    tpu.enqueue_indirect_dma source(%dma_start3A_281 : memref<40960x128xf32, #tpu.memory_space<hbm>>) target(%arg35 : memref<512x128xf32, #tpu.memory_space<vmem>>) offsets(%arg26 : memref<512xi32, #tpu.memory_space<vmem>>) semaphore(%arg37 : memref<!tpu.dma_semaphore, #tpu.memory_space<semaphore_mem>>) {add = true}
    %add3A_282 = arith.constant 360448 : i32
    %add3A_283 = arith.addi %add3A_282, %mul3A_2 : i32
    %dma_wait3A_284 = tpu.memref_slice %arg2[%add3A_283] : memref<491520xi32, #tpu.memory_space<hbm>> -> memref<512xi32, #tpu.memory_space<hbm>>
    %dma_wait3A_285 = tpu.memref_slice %arg2[%add3A_283] : memref<491520xi32, #tpu.memory_space<hbm>> -> memref<512xi32, #tpu.memory_space<hbm>>
    tpu.wait_dma2 semaphore(%arg36 : memref<!tpu.dma_semaphore, #tpu.memory_space<semaphore_mem>>) src(%dma_wait3A_285 : memref<512xi32, #tpu.memory_space<hbm>>) dst(%arg27 : memref<512xi32, #tpu.memory_space<vmem>>)
    %dma_start3A_286 = arith.constant 0 : i32
    %dma_start3A_287 = arith.constant 0 : i32
    %dma_start3A_288 = tpu.memref_slice %arg3[%dma_start3A_286, %dma_start3A_287] : memref<40960x128xf32, #tpu.memory_space<hbm>> -> memref<40960x128xf32, #tpu.memory_space<hbm>>
    tpu.enqueue_indirect_dma source(%dma_start3A_288 : memref<40960x128xf32, #tpu.memory_space<hbm>>) target(%arg35 : memref<512x128xf32, #tpu.memory_space<vmem>>) offsets(%arg27 : memref<512xi32, #tpu.memory_space<vmem>>) semaphore(%arg37 : memref<!tpu.dma_semaphore, #tpu.memory_space<semaphore_mem>>) {add = true}
    %add3A_289 = arith.constant 376832 : i32
    %add3A_290 = arith.addi %add3A_289, %mul3A_2 : i32
    %dma_wait3A_291 = tpu.memref_slice %arg2[%add3A_290] : memref<491520xi32, #tpu.memory_space<hbm>> -> memref<512xi32, #tpu.memory_space<hbm>>
    %dma_wait3A_292 = tpu.memref_slice %arg2[%add3A_290] : memref<491520xi32, #tpu.memory_space<hbm>> -> memref<512xi32, #tpu.memory_space<hbm>>
    tpu.wait_dma2 semaphore(%arg36 : memref<!tpu.dma_semaphore, #tpu.memory_space<semaphore_mem>>) src(%dma_wait3A_292 : memref<512xi32, #tpu.memory_space<hbm>>) dst(%arg28 : memref<512xi32, #tpu.memory_space<vmem>>)
    %dma_start3A_293 = arith.constant 0 : i32
    %dma_start3A_294 = arith.constant 0 : i32
    %dma_start3A_295 = tpu.memref_slice %arg3[%dma_start3A_293, %dma_start3A_294] : memref<40960x128xf32, #tpu.memory_space<hbm>> -> memref<40960x128xf32, #tpu.memory_space<hbm>>
    tpu.enqueue_indirect_dma source(%dma_start3A_295 : memref<40960x128xf32, #tpu.memory_space<hbm>>) target(%arg35 : memref<512x128xf32, #tpu.memory_space<vmem>>) offsets(%arg28 : memref<512xi32, #tpu.memory_space<vmem>>) semaphore(%arg37 : memref<!tpu.dma_semaphore, #tpu.memory_space<semaphore_mem>>) {add = true}
    %add3A_296 = arith.constant 393216 : i32
    %add3A_297 = arith.addi %add3A_296, %mul3A_2 : i32
    %dma_wait3A_298 = tpu.memref_slice %arg2[%add3A_297] : memref<491520xi32, #tpu.memory_space<hbm>> -> memref<512xi32, #tpu.memory_space<hbm>>
    %dma_wait3A_299 = tpu.memref_slice %arg2[%add3A_297] : memref<491520xi32, #tpu.memory_space<hbm>> -> memref<512xi32, #tpu.memory_space<hbm>>
    tpu.wait_dma2 semaphore(%arg36 : memref<!tpu.dma_semaphore, #tpu.memory_space<semaphore_mem>>) src(%dma_wait3A_299 : memref<512xi32, #tpu.memory_space<hbm>>) dst(%arg29 : memref<512xi32, #tpu.memory_space<vmem>>)
    %dma_start3A_300 = arith.constant 0 : i32
    %dma_start3A_301 = arith.constant 0 : i32
    %dma_start3A_302 = tpu.memref_slice %arg3[%dma_start3A_300, %dma_start3A_301] : memref<40960x128xf32, #tpu.memory_space<hbm>> -> memref<40960x128xf32, #tpu.memory_space<hbm>>
    tpu.enqueue_indirect_dma source(%dma_start3A_302 : memref<40960x128xf32, #tpu.memory_space<hbm>>) target(%arg35 : memref<512x128xf32, #tpu.memory_space<vmem>>) offsets(%arg29 : memref<512xi32, #tpu.memory_space<vmem>>) semaphore(%arg37 : memref<!tpu.dma_semaphore, #tpu.memory_space<semaphore_mem>>) {add = true}
    %add3A_303 = arith.constant 409600 : i32
    %add3A_304 = arith.addi %add3A_303, %mul3A_2 : i32
    %dma_wait3A_305 = tpu.memref_slice %arg2[%add3A_304] : memref<491520xi32, #tpu.memory_space<hbm>> -> memref<512xi32, #tpu.memory_space<hbm>>
    %dma_wait3A_306 = tpu.memref_slice %arg2[%add3A_304] : memref<491520xi32, #tpu.memory_space<hbm>> -> memref<512xi32, #tpu.memory_space<hbm>>
    tpu.wait_dma2 semaphore(%arg36 : memref<!tpu.dma_semaphore, #tpu.memory_space<semaphore_mem>>) src(%dma_wait3A_306 : memref<512xi32, #tpu.memory_space<hbm>>) dst(%arg30 : memref<512xi32, #tpu.memory_space<vmem>>)
    %dma_start3A_307 = arith.constant 0 : i32
    %dma_start3A_308 = arith.constant 0 : i32
    %dma_start3A_309 = tpu.memref_slice %arg3[%dma_start3A_307, %dma_start3A_308] : memref<40960x128xf32, #tpu.memory_space<hbm>> -> memref<40960x128xf32, #tpu.memory_space<hbm>>
    tpu.enqueue_indirect_dma source(%dma_start3A_309 : memref<40960x128xf32, #tpu.memory_space<hbm>>) target(%arg35 : memref<512x128xf32, #tpu.memory_space<vmem>>) offsets(%arg30 : memref<512xi32, #tpu.memory_space<vmem>>) semaphore(%arg37 : memref<!tpu.dma_semaphore, #tpu.memory_space<semaphore_mem>>) {add = true}
    %add3A_310 = arith.constant 425984 : i32
    %add3A_311 = arith.addi %add3A_310, %mul3A_2 : i32
    %dma_wait3A_312 = tpu.memref_slice %arg2[%add3A_311] : memref<491520xi32, #tpu.memory_space<hbm>> -> memref<512xi32, #tpu.memory_space<hbm>>
    %dma_wait3A_313 = tpu.memref_slice %arg2[%add3A_311] : memref<491520xi32, #tpu.memory_space<hbm>> -> memref<512xi32, #tpu.memory_space<hbm>>
    tpu.wait_dma2 semaphore(%arg36 : memref<!tpu.dma_semaphore, #tpu.memory_space<semaphore_mem>>) src(%dma_wait3A_313 : memref<512xi32, #tpu.memory_space<hbm>>) dst(%arg31 : memref<512xi32, #tpu.memory_space<vmem>>)
    %dma_start3A_314 = arith.constant 0 : i32
    %dma_start3A_315 = arith.constant 0 : i32
    %dma_start3A_316 = tpu.memref_slice %arg3[%dma_start3A_314, %dma_start3A_315] : memref<40960x128xf32, #tpu.memory_space<hbm>> -> memref<40960x128xf32, #tpu.memory_space<hbm>>
    tpu.enqueue_indirect_dma source(%dma_start3A_316 : memref<40960x128xf32, #tpu.memory_space<hbm>>) target(%arg35 : memref<512x128xf32, #tpu.memory_space<vmem>>) offsets(%arg31 : memref<512xi32, #tpu.memory_space<vmem>>) semaphore(%arg37 : memref<!tpu.dma_semaphore, #tpu.memory_space<semaphore_mem>>) {add = true}
    %add3A_317 = arith.constant 442368 : i32
    %add3A_318 = arith.addi %add3A_317, %mul3A_2 : i32
    %dma_wait3A_319 = tpu.memref_slice %arg2[%add3A_318] : memref<491520xi32, #tpu.memory_space<hbm>> -> memref<512xi32, #tpu.memory_space<hbm>>
    %dma_wait3A_320 = tpu.memref_slice %arg2[%add3A_318] : memref<491520xi32, #tpu.memory_space<hbm>> -> memref<512xi32, #tpu.memory_space<hbm>>
    tpu.wait_dma2 semaphore(%arg36 : memref<!tpu.dma_semaphore, #tpu.memory_space<semaphore_mem>>) src(%dma_wait3A_320 : memref<512xi32, #tpu.memory_space<hbm>>) dst(%arg32 : memref<512xi32, #tpu.memory_space<vmem>>)
    %dma_start3A_321 = arith.constant 0 : i32
    %dma_start3A_322 = arith.constant 0 : i32
    %dma_start3A_323 = tpu.memref_slice %arg3[%dma_start3A_321, %dma_start3A_322] : memref<40960x128xf32, #tpu.memory_space<hbm>> -> memref<40960x128xf32, #tpu.memory_space<hbm>>
    tpu.enqueue_indirect_dma source(%dma_start3A_323 : memref<40960x128xf32, #tpu.memory_space<hbm>>) target(%arg35 : memref<512x128xf32, #tpu.memory_space<vmem>>) offsets(%arg32 : memref<512xi32, #tpu.memory_space<vmem>>) semaphore(%arg37 : memref<!tpu.dma_semaphore, #tpu.memory_space<semaphore_mem>>) {add = true}
    %add3A_324 = arith.constant 458752 : i32
    %add3A_325 = arith.addi %add3A_324, %mul3A_2 : i32
    %dma_wait3A_326 = tpu.memref_slice %arg2[%add3A_325] : memref<491520xi32, #tpu.memory_space<hbm>> -> memref<512xi32, #tpu.memory_space<hbm>>
    %dma_wait3A_327 = tpu.memref_slice %arg2[%add3A_325] : memref<491520xi32, #tpu.memory_space<hbm>> -> memref<512xi32, #tpu.memory_space<hbm>>
    tpu.wait_dma2 semaphore(%arg36 : memref<!tpu.dma_semaphore, #tpu.memory_space<semaphore_mem>>) src(%dma_wait3A_327 : memref<512xi32, #tpu.memory_space<hbm>>) dst(%arg33 : memref<512xi32, #tpu.memory_space<vmem>>)
    %dma_start3A_328 = arith.constant 0 : i32
    %dma_start3A_329 = arith.constant 0 : i32
    %dma_start3A_330 = tpu.memref_slice %arg3[%dma_start3A_328, %dma_start3A_329] : memref<40960x128xf32, #tpu.memory_space<hbm>> -> memref<40960x128xf32, #tpu.memory_space<hbm>>
    tpu.enqueue_indirect_dma source(%dma_start3A_330 : memref<40960x128xf32, #tpu.memory_space<hbm>>) target(%arg35 : memref<512x128xf32, #tpu.memory_space<vmem>>) offsets(%arg33 : memref<512xi32, #tpu.memory_space<vmem>>) semaphore(%arg37 : memref<!tpu.dma_semaphore, #tpu.memory_space<semaphore_mem>>) {add = true}
    %add3A_331 = arith.constant 475136 : i32
    %add3A_332 = arith.addi %add3A_331, %mul3A_2 : i32
    %dma_wait3A_333 = tpu.memref_slice %arg2[%add3A_332] : memref<491520xi32, #tpu.memory_space<hbm>> -> memref<512xi32, #tpu.memory_space<hbm>>
    %dma_wait3A_334 = tpu.memref_slice %arg2[%add3A_332] : memref<491520xi32, #tpu.memory_space<hbm>> -> memref<512xi32, #tpu.memory_space<hbm>>
    tpu.wait_dma2 semaphore(%arg36 : memref<!tpu.dma_semaphore, #tpu.memory_space<semaphore_mem>>) src(%dma_wait3A_334 : memref<512xi32, #tpu.memory_space<hbm>>) dst(%arg34 : memref<512xi32, #tpu.memory_space<vmem>>)
    %dma_start3A_335 = arith.constant 0 : i32
    %dma_start3A_336 = arith.constant 0 : i32
    %dma_start3A_337 = tpu.memref_slice %arg3[%dma_start3A_335, %dma_start3A_336] : memref<40960x128xf32, #tpu.memory_space<hbm>> -> memref<40960x128xf32, #tpu.memory_space<hbm>>
    tpu.enqueue_indirect_dma source(%dma_start3A_337 : memref<40960x128xf32, #tpu.memory_space<hbm>>) target(%arg35 : memref<512x128xf32, #tpu.memory_space<vmem>>) offsets(%arg34 : memref<512xi32, #tpu.memory_space<vmem>>) semaphore(%arg37 : memref<!tpu.dma_semaphore, #tpu.memory_space<semaphore_mem>>) {add = true}
    %dma_wait3A_338 = arith.constant 0 : i32
    %dma_wait3A_339 = arith.constant 0 : i32
    %dma_wait3A_340 = tpu.memref_slice %arg3[%dma_wait3A_338, %dma_wait3A_339] : memref<40960x128xf32, #tpu.memory_space<hbm>> -> memref<40960x128xf32, #tpu.memory_space<hbm>>
    tpu.wait_indirect_dma semaphore(%arg37 : memref<!tpu.dma_semaphore, #tpu.memory_space<semaphore_mem>>) src(%dma_wait3A_340 : memref<40960x128xf32, #tpu.memory_space<hbm>>) dst(%arg35 : memref<512x128xf32, #tpu.memory_space<vmem>>)
    %dma_wait3A_341 = arith.constant 0 : i32
    %dma_wait3A_342 = arith.constant 0 : i32
    %dma_wait3A_343 = tpu.memref_slice %arg3[%dma_wait3A_341, %dma_wait3A_342] : memref<40960x128xf32, #tpu.memory_space<hbm>> -> memref<40960x128xf32, #tpu.memory_space<hbm>>
    tpu.wait_indirect_dma semaphore(%arg37 : memref<!tpu.dma_semaphore, #tpu.memory_space<semaphore_mem>>) src(%dma_wait3A_343 : memref<40960x128xf32, #tpu.memory_space<hbm>>) dst(%arg35 : memref<512x128xf32, #tpu.memory_space<vmem>>)
    %dma_wait3A_344 = arith.constant 0 : i32
    %dma_wait3A_345 = arith.constant 0 : i32
    %dma_wait3A_346 = tpu.memref_slice %arg3[%dma_wait3A_344, %dma_wait3A_345] : memref<40960x128xf32, #tpu.memory_space<hbm>> -> memref<40960x128xf32, #tpu.memory_space<hbm>>
    tpu.wait_indirect_dma semaphore(%arg37 : memref<!tpu.dma_semaphore, #tpu.memory_space<semaphore_mem>>) src(%dma_wait3A_346 : memref<40960x128xf32, #tpu.memory_space<hbm>>) dst(%arg35 : memref<512x128xf32, #tpu.memory_space<vmem>>)
    %dma_wait3A_347 = arith.constant 0 : i32
    %dma_wait3A_348 = arith.constant 0 : i32
    %dma_wait3A_349 = tpu.memref_slice %arg3[%dma_wait3A_347, %dma_wait3A_348] : memref<40960x128xf32, #tpu.memory_space<hbm>> -> memref<40960x128xf32, #tpu.memory_space<hbm>>
    tpu.wait_indirect_dma semaphore(%arg37 : memref<!tpu.dma_semaphore, #tpu.memory_space<semaphore_mem>>) src(%dma_wait3A_349 : memref<40960x128xf32, #tpu.memory_space<hbm>>) dst(%arg35 : memref<512x128xf32, #tpu.memory_space<vmem>>)
    %dma_wait3A_350 = arith.constant 0 : i32
    %dma_wait3A_351 = arith.constant 0 : i32
    %dma_wait3A_352 = tpu.memref_slice %arg3[%dma_wait3A_350, %dma_wait3A_351] : memref<40960x128xf32, #tpu.memory_space<hbm>> -> memref<40960x128xf32, #tpu.memory_space<hbm>>
    tpu.wait_indirect_dma semaphore(%arg37 : memref<!tpu.dma_semaphore, #tpu.memory_space<semaphore_mem>>) src(%dma_wait3A_352 : memref<40960x128xf32, #tpu.memory_space<hbm>>) dst(%arg35 : memref<512x128xf32, #tpu.memory_space<vmem>>)
    %dma_wait3A_353 = arith.constant 0 : i32
    %dma_wait3A_354 = arith.constant 0 : i32
    %dma_wait3A_355 = tpu.memref_slice %arg3[%dma_wait3A_353, %dma_wait3A_354] : memref<40960x128xf32, #tpu.memory_space<hbm>> -> memref<40960x128xf32, #tpu.memory_space<hbm>>
    tpu.wait_indirect_dma semaphore(%arg37 : memref<!tpu.dma_semaphore, #tpu.memory_space<semaphore_mem>>) src(%dma_wait3A_355 : memref<40960x128xf32, #tpu.memory_space<hbm>>) dst(%arg35 : memref<512x128xf32, #tpu.memory_space<vmem>>)
    %dma_wait3A_356 = arith.constant 0 : i32
    %dma_wait3A_357 = arith.constant 0 : i32
    %dma_wait3A_358 = tpu.memref_slice %arg3[%dma_wait3A_356, %dma_wait3A_357] : memref<40960x128xf32, #tpu.memory_space<hbm>> -> memref<40960x128xf32, #tpu.memory_space<hbm>>
    tpu.wait_indirect_dma semaphore(%arg37 : memref<!tpu.dma_semaphore, #tpu.memory_space<semaphore_mem>>) src(%dma_wait3A_358 : memref<40960x128xf32, #tpu.memory_space<hbm>>) dst(%arg35 : memref<512x128xf32, #tpu.memory_space<vmem>>)
    %dma_wait3A_359 = arith.constant 0 : i32
    %dma_wait3A_360 = arith.constant 0 : i32
    %dma_wait3A_361 = tpu.memref_slice %arg3[%dma_wait3A_359, %dma_wait3A_360] : memref<40960x128xf32, #tpu.memory_space<hbm>> -> memref<40960x128xf32, #tpu.memory_space<hbm>>
    tpu.wait_indirect_dma semaphore(%arg37 : memref<!tpu.dma_semaphore, #tpu.memory_space<semaphore_mem>>) src(%dma_wait3A_361 : memref<40960x128xf32, #tpu.memory_space<hbm>>) dst(%arg35 : memref<512x128xf32, #tpu.memory_space<vmem>>)
    %dma_wait3A_362 = arith.constant 0 : i32
    %dma_wait3A_363 = arith.constant 0 : i32
    %dma_wait3A_364 = tpu.memref_slice %arg3[%dma_wait3A_362, %dma_wait3A_363] : memref<40960x128xf32, #tpu.memory_space<hbm>> -> memref<40960x128xf32, #tpu.memory_space<hbm>>
    tpu.wait_indirect_dma semaphore(%arg37 : memref<!tpu.dma_semaphore, #tpu.memory_space<semaphore_mem>>) src(%dma_wait3A_364 : memref<40960x128xf32, #tpu.memory_space<hbm>>) dst(%arg35 : memref<512x128xf32, #tpu.memory_space<vmem>>)
    %dma_wait3A_365 = arith.constant 0 : i32
    %dma_wait3A_366 = arith.constant 0 : i32
    %dma_wait3A_367 = tpu.memref_slice %arg3[%dma_wait3A_365, %dma_wait3A_366] : memref<40960x128xf32, #tpu.memory_space<hbm>> -> memref<40960x128xf32, #tpu.memory_space<hbm>>
    tpu.wait_indirect_dma semaphore(%arg37 : memref<!tpu.dma_semaphore, #tpu.memory_space<semaphore_mem>>) src(%dma_wait3A_367 : memref<40960x128xf32, #tpu.memory_space<hbm>>) dst(%arg35 : memref<512x128xf32, #tpu.memory_space<vmem>>)
    %dma_wait3A_368 = arith.constant 0 : i32
    %dma_wait3A_369 = arith.constant 0 : i32
    %dma_wait3A_370 = tpu.memref_slice %arg3[%dma_wait3A_368, %dma_wait3A_369] : memref<40960x128xf32, #tpu.memory_space<hbm>> -> memref<40960x128xf32, #tpu.memory_space<hbm>>
    tpu.wait_indirect_dma semaphore(%arg37 : memref<!tpu.dma_semaphore, #tpu.memory_space<semaphore_mem>>) src(%dma_wait3A_370 : memref<40960x128xf32, #tpu.memory_space<hbm>>) dst(%arg35 : memref<512x128xf32, #tpu.memory_space<vmem>>)
    %dma_wait3A_371 = arith.constant 0 : i32
    %dma_wait3A_372 = arith.constant 0 : i32
    %dma_wait3A_373 = tpu.memref_slice %arg3[%dma_wait3A_371, %dma_wait3A_372] : memref<40960x128xf32, #tpu.memory_space<hbm>> -> memref<40960x128xf32, #tpu.memory_space<hbm>>
    tpu.wait_indirect_dma semaphore(%arg37 : memref<!tpu.dma_semaphore, #tpu.memory_space<semaphore_mem>>) src(%dma_wait3A_373 : memref<40960x128xf32, #tpu.memory_space<hbm>>) dst(%arg35 : memref<512x128xf32, #tpu.memory_space<vmem>>)
    %dma_wait3A_374 = arith.constant 0 : i32
    %dma_wait3A_375 = arith.constant 0 : i32
    %dma_wait3A_376 = tpu.memref_slice %arg3[%dma_wait3A_374, %dma_wait3A_375] : memref<40960x128xf32, #tpu.memory_space<hbm>> -> memref<40960x128xf32, #tpu.memory_space<hbm>>
    tpu.wait_indirect_dma semaphore(%arg37 : memref<!tpu.dma_semaphore, #tpu.memory_space<semaphore_mem>>) src(%dma_wait3A_376 : memref<40960x128xf32, #tpu.memory_space<hbm>>) dst(%arg35 : memref<512x128xf32, #tpu.memory_space<vmem>>)
    %dma_wait3A_377 = arith.constant 0 : i32
    %dma_wait3A_378 = arith.constant 0 : i32
    %dma_wait3A_379 = tpu.memref_slice %arg3[%dma_wait3A_377, %dma_wait3A_378] : memref<40960x128xf32, #tpu.memory_space<hbm>> -> memref<40960x128xf32, #tpu.memory_space<hbm>>
    tpu.wait_indirect_dma semaphore(%arg37 : memref<!tpu.dma_semaphore, #tpu.memory_space<semaphore_mem>>) src(%dma_wait3A_379 : memref<40960x128xf32, #tpu.memory_space<hbm>>) dst(%arg35 : memref<512x128xf32, #tpu.memory_space<vmem>>)
    %dma_wait3A_380 = arith.constant 0 : i32
    %dma_wait3A_381 = arith.constant 0 : i32
    %dma_wait3A_382 = tpu.memref_slice %arg3[%dma_wait3A_380, %dma_wait3A_381] : memref<40960x128xf32, #tpu.memory_space<hbm>> -> memref<40960x128xf32, #tpu.memory_space<hbm>>
    tpu.wait_indirect_dma semaphore(%arg37 : memref<!tpu.dma_semaphore, #tpu.memory_space<semaphore_mem>>) src(%dma_wait3A_382 : memref<40960x128xf32, #tpu.memory_space<hbm>>) dst(%arg35 : memref<512x128xf32, #tpu.memory_space<vmem>>)
    %dma_wait3A_383 = arith.constant 0 : i32
    %dma_wait3A_384 = arith.constant 0 : i32
    %dma_wait3A_385 = tpu.memref_slice %arg3[%dma_wait3A_383, %dma_wait3A_384] : memref<40960x128xf32, #tpu.memory_space<hbm>> -> memref<40960x128xf32, #tpu.memory_space<hbm>>
    tpu.wait_indirect_dma semaphore(%arg37 : memref<!tpu.dma_semaphore, #tpu.memory_space<semaphore_mem>>) src(%dma_wait3A_385 : memref<40960x128xf32, #tpu.memory_space<hbm>>) dst(%arg35 : memref<512x128xf32, #tpu.memory_space<vmem>>)
    %dma_wait3A_386 = arith.constant 0 : i32
    %dma_wait3A_387 = arith.constant 0 : i32
    %dma_wait3A_388 = tpu.memref_slice %arg3[%dma_wait3A_386, %dma_wait3A_387] : memref<40960x128xf32, #tpu.memory_space<hbm>> -> memref<40960x128xf32, #tpu.memory_space<hbm>>
    tpu.wait_indirect_dma semaphore(%arg37 : memref<!tpu.dma_semaphore, #tpu.memory_space<semaphore_mem>>) src(%dma_wait3A_388 : memref<40960x128xf32, #tpu.memory_space<hbm>>) dst(%arg35 : memref<512x128xf32, #tpu.memory_space<vmem>>)
    %dma_wait3A_389 = arith.constant 0 : i32
    %dma_wait3A_390 = arith.constant 0 : i32
    %dma_wait3A_391 = tpu.memref_slice %arg3[%dma_wait3A_389, %dma_wait3A_390] : memref<40960x128xf32, #tpu.memory_space<hbm>> -> memref<40960x128xf32, #tpu.memory_space<hbm>>
    tpu.wait_indirect_dma semaphore(%arg37 : memref<!tpu.dma_semaphore, #tpu.memory_space<semaphore_mem>>) src(%dma_wait3A_391 : memref<40960x128xf32, #tpu.memory_space<hbm>>) dst(%arg35 : memref<512x128xf32, #tpu.memory_space<vmem>>)
    %dma_wait3A_392 = arith.constant 0 : i32
    %dma_wait3A_393 = arith.constant 0 : i32
    %dma_wait3A_394 = tpu.memref_slice %arg3[%dma_wait3A_392, %dma_wait3A_393] : memref<40960x128xf32, #tpu.memory_space<hbm>> -> memref<40960x128xf32, #tpu.memory_space<hbm>>
    tpu.wait_indirect_dma semaphore(%arg37 : memref<!tpu.dma_semaphore, #tpu.memory_space<semaphore_mem>>) src(%dma_wait3A_394 : memref<40960x128xf32, #tpu.memory_space<hbm>>) dst(%arg35 : memref<512x128xf32, #tpu.memory_space<vmem>>)
    %dma_wait3A_395 = arith.constant 0 : i32
    %dma_wait3A_396 = arith.constant 0 : i32
    %dma_wait3A_397 = tpu.memref_slice %arg3[%dma_wait3A_395, %dma_wait3A_396] : memref<40960x128xf32, #tpu.memory_space<hbm>> -> memref<40960x128xf32, #tpu.memory_space<hbm>>
    tpu.wait_indirect_dma semaphore(%arg37 : memref<!tpu.dma_semaphore, #tpu.memory_space<semaphore_mem>>) src(%dma_wait3A_397 : memref<40960x128xf32, #tpu.memory_space<hbm>>) dst(%arg35 : memref<512x128xf32, #tpu.memory_space<vmem>>)
    %dma_wait3A_398 = arith.constant 0 : i32
    %dma_wait3A_399 = arith.constant 0 : i32
    %dma_wait3A_400 = tpu.memref_slice %arg3[%dma_wait3A_398, %dma_wait3A_399] : memref<40960x128xf32, #tpu.memory_space<hbm>> -> memref<40960x128xf32, #tpu.memory_space<hbm>>
    tpu.wait_indirect_dma semaphore(%arg37 : memref<!tpu.dma_semaphore, #tpu.memory_space<semaphore_mem>>) src(%dma_wait3A_400 : memref<40960x128xf32, #tpu.memory_space<hbm>>) dst(%arg35 : memref<512x128xf32, #tpu.memory_space<vmem>>)
    %dma_wait3A_401 = arith.constant 0 : i32
    %dma_wait3A_402 = arith.constant 0 : i32
    %dma_wait3A_403 = tpu.memref_slice %arg3[%dma_wait3A_401, %dma_wait3A_402] : memref<40960x128xf32, #tpu.memory_space<hbm>> -> memref<40960x128xf32, #tpu.memory_space<hbm>>
    tpu.wait_indirect_dma semaphore(%arg37 : memref<!tpu.dma_semaphore, #tpu.memory_space<semaphore_mem>>) src(%dma_wait3A_403 : memref<40960x128xf32, #tpu.memory_space<hbm>>) dst(%arg35 : memref<512x128xf32, #tpu.memory_space<vmem>>)
    %dma_wait3A_404 = arith.constant 0 : i32
    %dma_wait3A_405 = arith.constant 0 : i32
    %dma_wait3A_406 = tpu.memref_slice %arg3[%dma_wait3A_404, %dma_wait3A_405] : memref<40960x128xf32, #tpu.memory_space<hbm>> -> memref<40960x128xf32, #tpu.memory_space<hbm>>
    tpu.wait_indirect_dma semaphore(%arg37 : memref<!tpu.dma_semaphore, #tpu.memory_space<semaphore_mem>>) src(%dma_wait3A_406 : memref<40960x128xf32, #tpu.memory_space<hbm>>) dst(%arg35 : memref<512x128xf32, #tpu.memory_space<vmem>>)
    %dma_wait3A_407 = arith.constant 0 : i32
    %dma_wait3A_408 = arith.constant 0 : i32
    %dma_wait3A_409 = tpu.memref_slice %arg3[%dma_wait3A_407, %dma_wait3A_408] : memref<40960x128xf32, #tpu.memory_space<hbm>> -> memref<40960x128xf32, #tpu.memory_space<hbm>>
    tpu.wait_indirect_dma semaphore(%arg37 : memref<!tpu.dma_semaphore, #tpu.memory_space<semaphore_mem>>) src(%dma_wait3A_409 : memref<40960x128xf32, #tpu.memory_space<hbm>>) dst(%arg35 : memref<512x128xf32, #tpu.memory_space<vmem>>)
    %dma_wait3A_410 = arith.constant 0 : i32
    %dma_wait3A_411 = arith.constant 0 : i32
    %dma_wait3A_412 = tpu.memref_slice %arg3[%dma_wait3A_410, %dma_wait3A_411] : memref<40960x128xf32, #tpu.memory_space<hbm>> -> memref<40960x128xf32, #tpu.memory_space<hbm>>
    tpu.wait_indirect_dma semaphore(%arg37 : memref<!tpu.dma_semaphore, #tpu.memory_space<semaphore_mem>>) src(%dma_wait3A_412 : memref<40960x128xf32, #tpu.memory_space<hbm>>) dst(%arg35 : memref<512x128xf32, #tpu.memory_space<vmem>>)
    %dma_wait3A_413 = arith.constant 0 : i32
    %dma_wait3A_414 = arith.constant 0 : i32
    %dma_wait3A_415 = tpu.memref_slice %arg3[%dma_wait3A_413, %dma_wait3A_414] : memref<40960x128xf32, #tpu.memory_space<hbm>> -> memref<40960x128xf32, #tpu.memory_space<hbm>>
    tpu.wait_indirect_dma semaphore(%arg37 : memref<!tpu.dma_semaphore, #tpu.memory_space<semaphore_mem>>) src(%dma_wait3A_415 : memref<40960x128xf32, #tpu.memory_space<hbm>>) dst(%arg35 : memref<512x128xf32, #tpu.memory_space<vmem>>)
    %dma_wait3A_416 = arith.constant 0 : i32
    %dma_wait3A_417 = arith.constant 0 : i32
    %dma_wait3A_418 = tpu.memref_slice %arg3[%dma_wait3A_416, %dma_wait3A_417] : memref<40960x128xf32, #tpu.memory_space<hbm>> -> memref<40960x128xf32, #tpu.memory_space<hbm>>
    tpu.wait_indirect_dma semaphore(%arg37 : memref<!tpu.dma_semaphore, #tpu.memory_space<semaphore_mem>>) src(%dma_wait3A_418 : memref<40960x128xf32, #tpu.memory_space<hbm>>) dst(%arg35 : memref<512x128xf32, #tpu.memory_space<vmem>>)
    %dma_wait3A_419 = arith.constant 0 : i32
    %dma_wait3A_420 = arith.constant 0 : i32
    %dma_wait3A_421 = tpu.memref_slice %arg3[%dma_wait3A_419, %dma_wait3A_420] : memref<40960x128xf32, #tpu.memory_space<hbm>> -> memref<40960x128xf32, #tpu.memory_space<hbm>>
    tpu.wait_indirect_dma semaphore(%arg37 : memref<!tpu.dma_semaphore, #tpu.memory_space<semaphore_mem>>) src(%dma_wait3A_421 : memref<40960x128xf32, #tpu.memory_space<hbm>>) dst(%arg35 : memref<512x128xf32, #tpu.memory_space<vmem>>)
    %dma_wait3A_422 = arith.constant 0 : i32
    %dma_wait3A_423 = arith.constant 0 : i32
    %dma_wait3A_424 = tpu.memref_slice %arg3[%dma_wait3A_422, %dma_wait3A_423] : memref<40960x128xf32, #tpu.memory_space<hbm>> -> memref<40960x128xf32, #tpu.memory_space<hbm>>
    tpu.wait_indirect_dma semaphore(%arg37 : memref<!tpu.dma_semaphore, #tpu.memory_space<semaphore_mem>>) src(%dma_wait3A_424 : memref<40960x128xf32, #tpu.memory_space<hbm>>) dst(%arg35 : memref<512x128xf32, #tpu.memory_space<vmem>>)
    %dma_wait3A_425 = arith.constant 0 : i32
    %dma_wait3A_426 = arith.constant 0 : i32
    %dma_wait3A_427 = tpu.memref_slice %arg3[%dma_wait3A_425, %dma_wait3A_426] : memref<40960x128xf32, #tpu.memory_space<hbm>> -> memref<40960x128xf32, #tpu.memory_space<hbm>>
    tpu.wait_indirect_dma semaphore(%arg37 : memref<!tpu.dma_semaphore, #tpu.memory_space<semaphore_mem>>) src(%dma_wait3A_427 : memref<40960x128xf32, #tpu.memory_space<hbm>>) dst(%arg35 : memref<512x128xf32, #tpu.memory_space<vmem>>)
    "tpu.region"() ({
      %run_scoped3A = tpu.sem_alloc : memref<!tpu.dma_semaphore, #tpu.memory_space<semaphore_mem>>
      %dma_start3A_428 = arith.constant 0 : i32
      %dma_start3A_429 = tpu.memref_slice %arg4[%mul3A_2, %dma_start3A_428] : memref<16384x128xf32, #tpu.memory_space<hbm>> -> memref<512x128xf32, #tpu.memory_space<hbm>>
      %dma_start3A_430 = arith.constant 0 : i32
      %dma_start3A_431 = tpu.memref_slice %arg4[%mul3A_2, %dma_start3A_430] : memref<16384x128xf32, #tpu.memory_space<hbm>> -> memref<512x128xf32, #tpu.memory_space<hbm>>
      tpu.enqueue_dma source(%arg35 : memref<512x128xf32, #tpu.memory_space<vmem>>) target(%dma_start3A_431 : memref<512x128xf32, #tpu.memory_space<hbm>>) target_semaphore(%run_scoped3A : memref<!tpu.dma_semaphore, #tpu.memory_space<semaphore_mem>>)
      %dma_wait3A_432 = arith.constant 0 : i32
      %dma_wait3A_433 = tpu.memref_slice %arg4[%mul3A_2, %dma_wait3A_432] : memref<16384x128xf32, #tpu.memory_space<hbm>> -> memref<512x128xf32, #tpu.memory_space<hbm>>
      %dma_wait3A_434 = arith.constant 0 : i32
      %dma_wait3A_435 = tpu.memref_slice %arg4[%mul3A_2, %dma_wait3A_434] : memref<16384x128xf32, #tpu.memory_space<hbm>> -> memref<512x128xf32, #tpu.memory_space<hbm>>
      tpu.wait_dma2 semaphore(%run_scoped3A : memref<!tpu.dma_semaphore, #tpu.memory_space<semaphore_mem>>) src(%arg35 : memref<512x128xf32, #tpu.memory_space<vmem>>) dst(%dma_wait3A_435 : memref<512x128xf32, #tpu.memory_space<hbm>>)
      tpu.yield
    }) : () -> ()
    return
  }
}

module attributes {stable_mosaic.version = 14 : i64} {
  func.func @_mlp_body(%arg0: i32, %arg1: memref<8192x128xf32, #tpu.memory_space<vmem>>, %arg2: memref<128x32xf32, #tpu.memory_space<vmem>>, %arg3: memref<1x32xf32, #tpu.memory_space<vmem>>, %arg4: memref<32x32xf32, #tpu.memory_space<vmem>>, %arg5: memref<1x32xf32, #tpu.memory_space<vmem>>, %arg6: memref<32x1xf32, #tpu.memory_space<vmem>>, %arg7: memref<1x1xf32, #tpu.memory_space<vmem>>, %arg8: memref<8192xf32, #tpu.memory_space<vmem>>) attributes {dimension_semantics = [#tpu.dimension_semantics<arbitrary>], iteration_bounds = array<i64: 2>, scalar_prefetch = 0 : i64, scratch_operands = 0 : i64, tpu.core_type = #tpu.core_type<tc>, window_params = [{transform_indices = @transform_0, window_bounds = array<i64: 8192, 128>}, {pipeline_mode = #tpu.pipeline_mode<synchronous>, transform_indices = @transform_1, window_bounds = array<i64: 128, 32>}, {pipeline_mode = #tpu.pipeline_mode<synchronous>, transform_indices = @transform_2, window_bounds = array<i64: 1, 32>}, {pipeline_mode = #tpu.pipeline_mode<synchronous>, transform_indices = @transform_3, window_bounds = array<i64: 32, 32>}, {pipeline_mode = #tpu.pipeline_mode<synchronous>, transform_indices = @transform_4, window_bounds = array<i64: 1, 32>}, {pipeline_mode = #tpu.pipeline_mode<synchronous>, transform_indices = @transform_5, window_bounds = array<i64: 32, 1>}, {pipeline_mode = #tpu.pipeline_mode<synchronous>, transform_indices = @transform_6, window_bounds = array<i64: 1, 1>}, {transform_indices = @transform_7, window_bounds = array<i64: 8192>}]} {
    %get3A = arith.constant 0 : index
    %get3A_0 = arith.constant 0 : index
    %get3A_1 = vector.load %arg1[%get3A, %get3A_0] : memref<8192x128xf32, #tpu.memory_space<vmem>>, vector<8192x128xf32>
    %jit3A = arith.constant 0.000000e+00 : f32
    %jit3A_2 = arith.constant 1.000000e+00 : f32
    %max3A = vector.broadcast %jit3A : f32 to vector<8192x128xf32>
    %max3A_3 = arith.maximumf %max3A, %get3A_1 : vector<8192x128xf32>
    %min3A = vector.broadcast %jit3A_2 : f32 to vector<8192x128xf32>
    %min3A_4 = arith.minimumf %min3A, %max3A_3 : vector<8192x128xf32>
    %get3A_5 = arith.constant 0 : index
    %get3A_6 = arith.constant 0 : index
    %get3A_7 = vector.load %arg2[%get3A_5, %get3A_6] : memref<128x32xf32, #tpu.memory_space<vmem>>, vector<128x32xf32>
    %dot_general3A = arith.constant dense<0.000000e+00> : vector<8192x32xf32>
    %dot_general3A_8 = tpu.matmul %min3A_4, %get3A_7, %dot_general3A {dimension_numbers = #tpu.dot_dimension_numbers<[1], [0], [0], [1], [0, 0, 1, 1], [], []>, transpose_lhs_hint = false} : vector<8192x128xf32>, vector<128x32xf32>, vector<8192x32xf32> -> vector<8192x32xf32>
    %get3A_9 = arith.constant 0 : index
    %get3A_10 = arith.constant 0 : index
    %get3A_11 = vector.load %arg3[%get3A_9, %get3A_10] : memref<1x32xf32, #tpu.memory_space<vmem>>, vector<1x32xf32>
    %add3A = vector.broadcast %get3A_11 : vector<1x32xf32> to vector<8192x32xf32>
    %add3A_12 = arith.addf %dot_general3A_8, %add3A : vector<8192x32xf32>
    %jit3A_13 = arith.constant 0.000000e+00 : f32
    %jit3A_14 = arith.constant 1.000000e+00 : f32
    %max3A_15 = vector.broadcast %jit3A_13 : f32 to vector<8192x32xf32>
    %max3A_16 = arith.maximumf %max3A_15, %add3A_12 : vector<8192x32xf32>
    %min3A_17 = vector.broadcast %jit3A_14 : f32 to vector<8192x32xf32>
    %min3A_18 = arith.minimumf %min3A_17, %max3A_16 : vector<8192x32xf32>
    %get3A_19 = arith.constant 0 : index
    %get3A_20 = arith.constant 0 : index
    %get3A_21 = vector.load %arg4[%get3A_19, %get3A_20] : memref<32x32xf32, #tpu.memory_space<vmem>>, vector<32x32xf32>
    %dot_general3A_22 = arith.constant dense<0.000000e+00> : vector<8192x32xf32>
    %dot_general3A_23 = tpu.matmul %min3A_18, %get3A_21, %dot_general3A_22 {dimension_numbers = #tpu.dot_dimension_numbers<[1], [0], [0], [1], [0, 0, 1, 1], [], []>, transpose_lhs_hint = false} : vector<8192x32xf32>, vector<32x32xf32>, vector<8192x32xf32> -> vector<8192x32xf32>
    %get3A_24 = arith.constant 0 : index
    %get3A_25 = arith.constant 0 : index
    %get3A_26 = vector.load %arg5[%get3A_24, %get3A_25] : memref<1x32xf32, #tpu.memory_space<vmem>>, vector<1x32xf32>
    %add3A_27 = vector.broadcast %get3A_26 : vector<1x32xf32> to vector<8192x32xf32>
    %add3A_28 = arith.addf %dot_general3A_23, %add3A_27 : vector<8192x32xf32>
    %jit3A_29 = arith.constant 0.000000e+00 : f32
    %jit3A_30 = arith.constant 1.000000e+00 : f32
    %max3A_31 = vector.broadcast %jit3A_29 : f32 to vector<8192x32xf32>
    %max3A_32 = arith.maximumf %max3A_31, %add3A_28 : vector<8192x32xf32>
    %min3A_33 = vector.broadcast %jit3A_30 : f32 to vector<8192x32xf32>
    %min3A_34 = arith.minimumf %min3A_33, %max3A_32 : vector<8192x32xf32>
    %get3A_35 = arith.constant 0 : index
    %get3A_36 = arith.constant 0 : index
    %get3A_37 = vector.load %arg6[%get3A_35, %get3A_36] : memref<32x1xf32, #tpu.memory_space<vmem>>, vector<32x1xf32>
    %dot_general3A_38 = arith.constant dense<0.000000e+00> : vector<8192x1xf32>
    %dot_general3A_39 = tpu.matmul %min3A_34, %get3A_37, %dot_general3A_38 {dimension_numbers = #tpu.dot_dimension_numbers<[1], [0], [0], [1], [0, 0, 1, 1], [], []>, transpose_lhs_hint = false} : vector<8192x32xf32>, vector<32x1xf32>, vector<8192x1xf32> -> vector<8192x1xf32>
    %get3A_40 = arith.constant 0 : index
    %get3A_41 = arith.constant 0 : index
    %get3A_42 = vector.load %arg7[%get3A_40, %get3A_41] : memref<1x1xf32, #tpu.memory_space<vmem>>, vector<1x1xf32>
    %add3A_43 = vector.broadcast %get3A_42 : vector<1x1xf32> to vector<8192x1xf32>
    %add3A_44 = arith.addf %dot_general3A_39, %add3A_43 : vector<8192x1xf32>
    %squeeze3A = vector.shape_cast %add3A_44 : vector<8192x1xf32> to vector<8192xf32>
    %swap3A = arith.constant 0 : index
    %swap3A_45 = vector.load %arg8[%swap3A] : memref<8192xf32, #tpu.memory_space<vmem>>, vector<8192xf32>
    tpu.vector_store %arg8[%swap3A], %squeeze3A {strides = array<i32>} : memref<8192xf32, #tpu.memory_space<vmem>>, vector<8192xf32>,
    return
  }
  func.func @transform_0(%arg0: i32) -> (i32, i32) {
    %c0_i32 = arith.constant 0 : i32
    %c0_i32_0 = arith.constant 0 : i32
    return %arg0, %c0_i32 : i32, i32
  }
  func.func @transform_1(%arg0: i32) -> (i32, i32) {
    %c0_i32 = arith.constant 0 : i32
    %c0_i32_0 = arith.constant 0 : i32
    %c0_i32_1 = arith.constant 0 : i32
    return %c0_i32, %c0_i32_0 : i32, i32
  }
  func.func @transform_2(%arg0: i32) -> (i32, i32) {
    %c0_i32 = arith.constant 0 : i32
    %c0_i32_0 = arith.constant 0 : i32
    %c0_i32_1 = arith.constant 0 : i32
    return %c0_i32, %c0_i32_0 : i32, i32
  }
  func.func @transform_3(%arg0: i32) -> (i32, i32) {
    %c0_i32 = arith.constant 0 : i32
    %c0_i32_0 = arith.constant 0 : i32
    %c0_i32_1 = arith.constant 0 : i32
    return %c0_i32, %c0_i32_0 : i32, i32
  }
  func.func @transform_4(%arg0: i32) -> (i32, i32) {
    %c0_i32 = arith.constant 0 : i32
    %c0_i32_0 = arith.constant 0 : i32
    %c0_i32_1 = arith.constant 0 : i32
    return %c0_i32, %c0_i32_0 : i32, i32
  }
  func.func @transform_5(%arg0: i32) -> (i32, i32) {
    %c0_i32 = arith.constant 0 : i32
    %c0_i32_0 = arith.constant 0 : i32
    %c0_i32_1 = arith.constant 0 : i32
    return %c0_i32, %c0_i32_0 : i32, i32
  }
  func.func @transform_6(%arg0: i32) -> (i32, i32) {
    %c0_i32 = arith.constant 0 : i32
    %c0_i32_0 = arith.constant 0 : i32
    %c0_i32_1 = arith.constant 0 : i32
    return %c0_i32, %c0_i32_0 : i32, i32
  }
  func.func @transform_7(%arg0: i32) -> i32 {
    %c0_i32 = arith.constant 0 : i32
    return %arg0 : i32
  }
}

</mosaic_0001>

<sc_bundles>
// kernel: kernel.4.cloned.1.call-start
scs
__scs_entry_jumppad:
0x0: {  	(pc) =	sbr.rel $0x88, $3  }
0x1: {  	(tag) =	ssettag $0x0;
	lr =	simm.s32 $0x1  }
0x2: {  	[smem:$0x3F99] =	sst lr;
	_ =	strace $0xD0000000  }
0x3: {  	_ = 	snop  }
0x4: {  	_ = 	snop  }
0x5: {  	_ = 	snop  }
0x6: {  	_ = 	snop  }
0x7: {  	_ = 	snop  }
__scs_overlays_trampoline_lowered:
0x8: {  	[smem:$0x3FA8] =	sst s0  }
0x9: {  	[smem:$0x3FA9] =	sst s1  }
0xa: {  	[smem:$0x3FAA] =	sst s2  }
0xb: {  	[smem:$0x3FAB] =	sst s3  }
0xc: {  	[smem:$0x3FAC] =	sst s4  }
0xd: {  	[smem:$0x3FAD] =	sst s5  }
0xe: {  	[smem:$0x3FAE] =	sst s6  }
0xf: {  	[smem:$0x3FAF] =	sst s7  }
0x10: {  	[smem:$0x3FB0] =	sst s8  }
0x11: {  	[smem:$0x3FB1] =	sst s9;
	s0 =	simm.s32 @!p0 $0x0  }
0x12: {  	s1 =	sld [smem:$0x3F97];
	s0 =	simm.s32 @p0 $0x1  }
0x13: {  	[smem:$0x3FB2] =	sst s0;
	s0 =	simm.s32 @!p1 $0x0  }
0x14: {  	s2 =	sld [smem:$0x3F96];
	s0 =	simm.s32 @p1 $0x1  }
0x15: {  	[smem:$0x3FB3] =	sst s0;
	s0 =	simm.s32 @!p2 $0x0  }
0x16: {  	s3 =	sld [smem:$0x3FDB];
	s0 =	simm.s32 @p2 $0x1  }
0x17: {  	s4 =	simm.s32 $0x1BF5;
	[smem:$0x3FB5] =	sst s0  }
0x18: {  	s0 =	sld [smem:$0x3F98];
	_ =	swait.ge [sflag:s4], $0x0  }
0x19: {  	s7 =	sld [smem:$0x3F99]  }
0x1a: {  	s8 =	sadd.s32 $0xFFFFE003, lr  }
0x1b: {  	s9 =	sadd.s32 $0xFFFFFEF7, lr;
	s5 =	simm.s32 $0xFFFFFFFF;
	p2 =	slt.u32 s8, $0xFFFFF086  }
0x1c: {  	p1 =	slt.u32 s9, $0xF7A;
	s5 =	simm.s32 @!p2 $0x0  }
0x1d: {  	s5 =	simm.s32 @p1 $0x1;
	p0 =	seq.s32 s7, s2  }
0x1e: {  	s7 =	smul.u32 @!p0 $0xF7A, s2;
	p2 =	seq.s32 @!p0 s5, $0x0  }
0x1f: {  	s9 =	smul.u32 $0xF7A, s1;
	s8 =	simm.s32 @!p0 $0x1BF5;
	p2 =	por !p2, p0  }
0x20: {  	[sflag:s8] =	ssyncset.s32 @!p0 $0xFFFFF086;
	s6 =	sadd.s32 @!p0 s3, s7;
	s7 =	simm.s32 @!p0 $0x108  }
0x21: {  	s3 =	sadd.s32 s3, s9;
	s6 =	sadd.s32 @!p0 $0x88, s6;
	s7 =	simm.s32 @p2 $0x1082  }
0x22: {  	[simem:s7], [sflag:s8] =	dma.local @!p0 [hbm:s6], $0xF7A  }
0x23: {  	s9 =	sor.u32 $0xD0000000, s2;
	s6 =	simm.s32 $0x108;
	_ =	swait.ge @!p0 [sflag:s8], $0x0  }
0x24: {  	s3 =	sadd.s32 $0x88, s3;
	s6 =	simm.s32 @!p1 $0x1082;
	[sflag:s4] =	ssyncset.s32 $0xFFFFF086  }
0x25: {  	[simem:s6], [sflag:s4] =	dma.local [hbm:s3], $0xF7A  }
0x26: {  	[smem:$0x3F99] =	sst s1;
	(tag) =	ssettag s2;
	_ =	strace s9  }
0x27: {  	s1 =	sld [smem:$0x3FA9]  }
0x28: {  	s2 =	sld [smem:$0x3FAA]  }
0x29: {  	s4 =	sld [smem:$0x3FAC]  }
0x2a: {  	p0 =	seq.s32 s5, $0x0;
	s5 =	sld [smem:$0x3FAD]  }
0x2b: {  	s6 =	sld [smem:$0x3FAE]  }
0x2c: {  	s7 =	sld [smem:$0x3FAF]  }
0x2d: {  	s3 =	simm.s32 $0x108;
	s8 =	sld [smem:$0x3FB0]  }
0x2e: {  	s3 =	simm.s32 @!p0 $0x1082;
	s9 =	sld [smem:$0x3FB1]  }
0x2f: {  	lr =	sadd.s32 s0, s3;
	s0 =	sld [smem:$0x3FA8]  }
0x30: {  	s3 =	sld [smem:$0x3FAB]  }
0x31: {  	[smem:$0x3FB4] =	sst s10  }
0x32: {  	s10 =	sld [smem:$0x3FB2];
	_ =	sdelay $0x3  }
0x33: {  	p0 =	seq.s32 s10, $0x1;
	s10 =	sld [smem:$0x3FB4];
	_ =	sdelay $0x3  }
0x34: {  	[smem:$0x3FB4] =	sst s10  }
0x35: {  	s10 =	sld [smem:$0x3FB3];
	_ =	sdelay $0x3  }
0x36: {  	p1 =	seq.s32 s10, $0x1;
	s10 =	sld [smem:$0x3FB4];
	_ =	sdelay $0x3  }
0x37: {  	[smem:$0x3FB4] =	sst s10  }
0x38: {  	s10 =	sld [smem:$0x3FB5]  }
0x39: {  	_ = 	snop;
	(pc) =	sbr.ind lr, $3  }
0x3a: {  	_ = 	snop  }
0x3b: {  	_ = 	snop  }
0x3c: {  	p2 =	seq.s32 s10, $0x1;
	s10 =	sld [smem:$0x3FB4]  }
0x3d: {  	_ =	shalt  }
0x3e: {  	_ =	shalt  }
0x3f: {  	_ =	shalt  }
0x40: {  	_ =	shalt  }
0x41: {  	_ =	shalt  }
0x42: {  	_ =	shalt  }
0x43: {  	_ =	shalt  }
0x44: {  	_ =	shalt  }
0x45: {  	_ =	shalt  }
0x46: {  	_ =	shalt  }
0x47: {  	_ =	shalt  }
0x48: {  	_ =	shalt  }
0x49: {  	_ =	shalt  }
0x4a: {  	_ =	shalt  }
0x4b: {  	_ =	shalt  }
0x4c: {  	_ =	shalt  }
0x4d: {  	_ =	shalt  }
0x4e: {  	_ =	shalt  }
0x4f: {  	_ =	shalt  }
0x50: {  	_ =	shalt  }
0x51: {  	_ =	shalt  }
0x52: {  	_ =	shalt  }
0x53: {  	_ =	shalt  }
0x54: {  	_ =	shalt  }
0x55: {  	_ =	shalt  }
0x56: {  	_ =	shalt  }
0x57: {  	_ =	shalt  }
0x58: {  	_ =	shalt  }
0x59: {  	_ =	shalt  }
0x5a: {  	_ =	shalt  }
0x5b: {  	_ =	shalt  }
0x5c: {  	_ =	shalt  }
0x5d: {  	_ =	shalt  }
0x5e: {  	_ =	shalt  }
0x5f: {  	_ =	shalt  }
0x60: {  	_ =	shalt  }
0x61: {  	_ =	shalt  }
0x62: {  	_ =	shalt  }
0x63: {  	_ =	shalt  }
0x64: {  	_ =	shalt  }
0x65: {  	_ =	shalt  }
0x66: {  	_ =	shalt  }
0x67: {  	_ =	shalt  }
0x68: {  	_ =	shalt  }
0x69: {  	_ =	shalt  }
0x6a: {  	_ =	shalt  }
0x6b: {  	_ =	shalt  }
0x6c: {  	_ =	shalt  }
0x6d: {  	_ =	shalt  }
0x6e: {  	_ =	shalt  }
0x6f: {  	_ =	shalt  }
0x70: {  	_ =	shalt  }
0x71: {  	_ =	shalt  }
0x72: {  	_ =	shalt  }
0x73: {  	_ =	shalt  }
0x74: {  	_ =	shalt  }
0x75: {  	_ =	shalt  }
0x76: {  	_ =	shalt  }
0x77: {  	_ =	shalt  }
0x78: {  	_ =	shalt  }
0x79: {  	_ =	shalt  }
0x7a: {  	_ =	shalt  }
0x7b: {  	_ =	shalt  }
0x7c: {  	_ =	shalt  }
0x7d: {  	_ =	shalt  }
0x7e: {  	_ =	shalt  }
0x7f: {  	_ =	shalt  }
0x80: {  	_ =	shalt  }
0x81: {  	_ =	shalt  }
0x82: {  	_ =	shalt  }
0x83: {  	_ =	shalt  }
0x84: {  	_ =	shalt  }
0x85: {  	_ =	shalt  }
0x86: {  	_ =	shalt  }
0x87: {  	_ =	shalt  }
.Lfunc_end0:
.L_simem_size_0:
called_computation_lowered:
.L_overlay_start_0:
0x88: {  	s2 =	sld [smem:$0x3FD9]  }
0x89: {  	s3 =	sld [smem:$0x3FFE];
	_ =	sdelay $0x1  }
0x8a: {  	s1 =	srdreg.scid  }
0x8b: {  	s0 =	sand.u32 $0x1, s1  }
0x8c: {  	s17 =	sshll.u32 s0, $0xA;
	s2 =	sadd.s32 s3, s2  }
0x8d: {  	s2 =	sadd.s32 s2, s17  }
0x8e: {  	[smem:$0x3FC0] =	sst s2  }
0x8f: {  	_ = 	snop  }
0x90: {  	s2 =	sld [smem:$0x3FC8];
	(tm) =	ssettm $0x1  }
0x91: {  	s18 =	sld [smem:$0x3FFB];
	_ =	sdelay $0x3  }
0x92: {  	_ =	strace s18  }
0x93: {  	s3 =	sld [smem:$0x3FFC];
	_ =	sdelay $0x3  }
0x94: {  	_ =	strace s3  }
0x95: {  	s3 =	sld [smem:$0x3FFD];
	_ =	sdelay $0x3  }
0x96: {  	_ =	strace s3  }
0x97: {  	_ =	strace $0x8FFFFFFF  }
0x98: {  	s19 =	sld [smem:$0x3FDB];
	_ =	sdelay $0x1  }
0x99: {  	s4 =	simm.s32 $_scs_section_size  }
0x9a: {  	s5 =	simm.s32 $_size__tile_overlayer_lowered;
	s6 =	simm.s32 $_tile_overlayer_lowered  }
0x9b: {  	s22 =	simm.s32 $0x1BFF;
	s21 =	sshll.u32 s6, $0x1;
	s3 =	sadd.s32 s4, s19  }
0x9c: {  	s7 =	simm.s32 $0x0;
	s20 =	sshll.u32 s5, $0x1;
	s5 =	sadd.s32 s21, s3  }
0x9d: {  	[timem:s7], [sflag:s22] =	dma.local [hbm:s5], s20  }
0x9e: {  	_ =	swait.ge [sflag:s22], s20  }
0x9f: {  	s4 =	ssub.s32 $0x0, s20;
	[sflag:s22] =	ssyncset.done $0x0  }
0xa0: {  	[sflag:s22] =	ssyncadd.s32 s4;
	_ =	sdelay $0x1  }
0xa1: {  	s23 =	simm.s32 $0x1B8B  }
0xa2: {  	_ =	swait.ge [sflag:s23], $0x1  }
0xa3: {  	[sflag:s23] =	ssyncset.done $0x0  }
0xa4: {  	s25 =	simm.s32 $0x1B8E;
	s24 =	sld [smem:$0x3FFE];
	[sflag:s23] =	ssyncadd.s32 $0xFFFFFFFF  }
0xa5: {  	s26 =	simm.s32 $execute0_lowered;
	[smem:$0x3FD2] =	sst s25  }
0xa6: {  	s5 =	sshll.u32 s26, $0x1;
	_ =	strace $0x80000046;
	[dreg:$0x1] =	wrdreg $0xFFFFFFFF  }
0xa7: {  	s28 =	simm.s32 $_size_execute0_lowered;
	s3 =	sadd.s32 s3, s5;
	[dreg:$0x0] =	wrdreg $0x0  }
0xa8: {  	s5 =	sshll.u32 s28, $0x1;
	[dreg:$0x2] =	wrdreg s3  }
0xa9: {  	[dreg:$0x3] =	wrdreg s5  }
0xaa: {  	[dreg:$0x4] =	wrdreg $0xC0  }
0xab: {  	_ =	task [dreg:s7], $0x5FFFF  }
0xac: {  	[dreg:$0x1] =	wrdreg $0xFFFFFFFF  }
0xad: {  	[dreg:$0x0] =	wrdreg $0x60  }
0xae: {  	[dreg:$0x2] =	wrdreg s24  }
0xaf: {  	[dreg:$0x3] =	wrdreg s2  }
0xb0: {  	[dreg:$0x4] =	wrdreg $0x9  }
0xb1: {  	_ =	task.clear_ibuf [dreg:s7], $0x5FFFF;
	_ =	strace $0x90000046  }
0xb2: {  	s29 =	simm.s32 $0x9;
	_ =	strace $0x80000048  }
0xb3: {  	_ =	swait.ge [sflag:s29], $0x1  }
0xb4: {  	[sflag:s29] =	ssyncadd.s32 $0xFFFFFFFF  }
0xb5: {  	_ =	strace $0x90000048  }
0xb6: {  	_ =	sfence  }
0xb7: {  	s30 =	sld [smem:$0x0];
	_ =	sdelay $0x2  }
0xb8: {  	s31 =	sshll.u32 s1, $0xD;
	s1 =	sshrl.u32 s1, $0x2  }
0xb9: {  	s3 =	sand.u32 $0x4000, s31;
	s1 =	sadd.s32 s1, s30  }
0xba: {  	s0 =	sor.u32 s3, s0;
	s1 =	sshll.u32 s1, $0x11  }
0xbb: {  	s0 =	sor.u32 s1, s0  }
0xbc: {  	s0 =	sadd.s32 $0x8F2B, s0  }
0xbd: {  	[sflag:s0] =	ssyncadd.remote.s32 $0x1  }
0xbe: {  	_ =	sfence.sel $0xFFFF  }
0xbf: {  	[dreg:$0x0] =	wrdreg $0xFFFFFFFF;
	(pc) =	sbr.abs _section_cstart, $3  }
0xc0: {  	[dreg:$0x1] =	wrdreg $0xFFFFFFFF  }
0xc1: {  	_ =	task.clear_ibuf [dreg:s7], $0x2FFFF;
	_ =	strace $0x9FFFFFFF  }
0xc2: {  	(tm) =	ssettm $0x7FFFFFFF  }
0xc3: {  	_ =	shalt  }
tec
execute0_lowered:
.L_overlay_start_1:
0x0: {  	(tag) =	ssettag $0x1  }
0x1: {  	s1 =	srdreg.scid  }
0x2: {  	s4 =	stileid.u32;
	s1 =	sand.u32 $0x1, s1  }
0x3: {  	s4 =	sshll.u32 s4, $0xA;
	s5 =	sshll.u32 s1, $0x9  }
0x4: {  	s4 =	sor.u32 s5, s4  }
0x5: {  	s0 =	rddreg [dreg:$0x0];
	s5 =	sshrl.u32 s4, $0x3  }
0x6: {  	s2 =	rddreg [dreg:$0x1];
	s3 =	simm.s32 $0x0;
	s5 =	sadd.s32 s5, s0  }
0x7: {  	[smem:$0x7FF] =	sst s3;
	s17 =	sadd.s32 $0x1000, s5  }
0x8: {  	_ =	strace $0x80000047;
	s18 =	sadd.s32 $0x1800, s5;
	[dreg:$0x3] =	wrdreg s17  }
0x9: {  	s19 =	sadd.s32 $0x2000, s5;
	[dreg:$0x4] =	wrdreg s18  }
0xa: {  	s20 =	sadd.s32 $0x2800, s5;
	[dreg:$0x5] =	wrdreg s19  }
0xb: {  	s21 =	sadd.s32 $0x3000, s5;
	[dreg:$0x6] =	wrdreg s20  }
0xc: {  	s22 =	sadd.s32 $0x3800, s5;
	[dreg:$0x7] =	wrdreg s21  }
0xd: {  	s23 =	sadd.s32 $0x4000, s5;
	[dreg:$0x8] =	wrdreg s22  }
0xe: {  	s24 =	sadd.s32 $0x4800, s5;
	[dreg:$0x9] =	wrdreg s23  }
0xf: {  	s1 =	ssub.s32 $0x2, s1;
	s25 =	sadd.s32 $0x5000, s5;
	[dreg:$0xa] =	wrdreg s24  }
0x10: {  	s6 =	sshrl.u32 s1, $0x1;
	s26 =	sadd.s32 $0x5800, s5;
	[dreg:$0xb] =	wrdreg s25  }
0x11: {  	s1 =	ssub.s32 s1, s6;
	s6 =	sadd.s32 $0x6000, s5;
	[dreg:$0xc] =	wrdreg s26  }
0x12: {  	s7 =	sadd.s32 $0x6800, s5;
	[dreg:$0xd] =	wrdreg s6  }
0x13: {  	s8 =	sadd.s32 $0x7000, s5;
	[dreg:$0xe] =	wrdreg s7  }
0x14: {  	s28 =	simm.s32 $0x1E00;
	s9 =	sadd.s32 $0x7800, s5;
	[dreg:$0xf] =	wrdreg s8  }
0x15: {  	s29 =	simm.s32 $0x2000;
	s10 =	sadd.s32 $0x8000, s5;
	[dreg:$0x10] =	wrdreg s9  }
0x16: {  	s30 =	simm.s32 $0x2200;
	s11 =	sadd.s32 $0x8800, s5;
	[dreg:$0x11] =	wrdreg s10  }
0x17: {  	s31 =	simm.s32 $0x2400;
	s12 =	sadd.s32 $0x9000, s5;
	[dreg:$0x12] =	wrdreg s11  }
0x18: {  	s4 =	sshll.u32 s4, $0x4;
	s13 =	sadd.s32 $0x9800, s5;
	[dreg:$0x13] =	wrdreg s12  }
0x19: {  	s0 =	sadd.s32 s4, s0;
	s14 =	sadd.s32 $0xA000, s5;
	[dreg:$0x14] =	wrdreg s13  }
0x1a: {  	s4 =	simm.s32 $0x2E00;
	s15 =	sadd.s32 $0xA800, s5;
	[dreg:$0x15] =	wrdreg s14  }
0x1b: {  	s16 =	sadd.s32 $0xB000, s5;
	s0 =	sadd.s32 $0x10000, s0;
	[dreg:$0x16] =	wrdreg s15  }
0x1c: {  	[dreg:$0x17] =	wrdreg s16;
	s17 =	sadd.s32 $0xB800, s5;
	s18 =	sadd.s32 $0xC000, s5  }
0x1d: {  	s19 =	sadd.s32 $0xC800, s5;
	s20 =	sadd.s32 $0xD000, s5;
	[smem:$0x7FC] =	sst s0  }
0x1e: {  	s21 =	sadd.s32 $0xD800, s5;
	s22 =	sadd.s32 $0xE000, s5;
	[dreg:$0x18] =	wrdreg s17  }
0x1f: {  	s23 =	sadd.s32 $0xE800, s5;
	s24 =	sadd.s32 $0xF000, s5;
	[dreg:$0x19] =	wrdreg s18  }
0x20: {  	s25 =	sadd.s32 $0xF800, s5;
	s26 =	smax.u32 s1, $0x1;
	[dreg:$0x1a] =	wrdreg s19  }
0x21: {  	s7 =	simm.s32 $0x200;
	s0 =	simm.s32 $0x2600;
	[dreg:$0x1b] =	wrdreg s20  }
0x22: {  	s8 =	simm.s32 $0x2800;
	s1 =	simm.s32 $0x2A00;
	[dreg:$0x1c] =	wrdreg s21  }
0x23: {  	s9 =	simm.s32 $0x2C00;
	s6 =	simm.s32 $0x3000;
	[dreg:$0x1d] =	wrdreg s22  }
0x24: {  	s14 =	simm.s32 $0x3200;
	s15 =	simm.s32 $0x3400;
	[dreg:$0x1e] =	wrdreg s23  }
0x25: {  	s16 =	simm.s32 $0x3600;
	s10 =	simm.s32 $0x1;
	[dreg:$0x1f] =	wrdreg s24  }
0x26: {  	s5 =	simm.s32 $0x3C00;
	s11 =	simm.s32 $0x2;
	[smem:$0x7FB] =	sst s25  }
0x27: {  	s12 =	simm.s32 $0x0;
	[smem:$0x7FD] =	sst s26;
	s19 =	simm.s32 $0x400  }
0x28: {  	s20 =	simm.s32 $0x1000;
	s21 =	simm.s32 $0x1200;
	s22 =	simm.s32 $0x1400  }
0x29: {  	s23 =	simm.s32 $0x1600;
	s24 =	simm.s32 $0x1800;
	s25 =	simm.s32 $0x1A00  }
0x2a: {  	v0 =	vimm.f32 $0.0e+00;
	s26 =	simm.s32 $0x1C00;
	s17 =	simm.s32 $0x3800;
	s18 =	simm.s32 $0x3A00  }
.LBB2_1:
0x2b: {  	s13 =	rddreg [dreg:$0x3]  }
0x2c: {  	[tilespmem:s3], [sflag:$0x1] =	stream.linear.gather [hbm4b:s13+s3], $0x200, $0x38;
	[tilespmem:$0x13C00] =	vst v63  }
0x2d: {  	s13 =	rddreg [dreg:$0x4]  }
0x2e: {  	[tilespmem:s7], [sflag:$0x1] =	stream.linear.gather [hbm4b:s13+s3], $0x200, $0x38;
	[tilespmem:$0x13C00] =	vst v63  }
0x2f: {  	s13 =	rddreg [dreg:$0x5]  }
0x30: {  	[tilespmem:s19], [sflag:$0x1] =	stream.linear.gather [hbm4b:s13+s3], $0x200, $0x38;
	[tilespmem:$0x13C00] =	vst v63  }
0x31: {  	s13 =	rddreg [dreg:$0x6];
	s19 =	simm.s32 $0x600  }
0x32: {  	[tilespmem:s19], [sflag:$0x1] =	stream.linear.gather [hbm4b:s13+s3], $0x200, $0x38;
	[tilespmem:$0x13C00] =	vst v63  }
0x33: {  	s13 =	rddreg [dreg:$0x7];
	s19 =	simm.s32 $0x800  }
0x34: {  	[tilespmem:s19], [sflag:$0x1] =	stream.linear.gather [hbm4b:s13+s3], $0x200, $0x38;
	[tilespmem:$0x13C00] =	vst v63  }
0x35: {  	s13 =	rddreg [dreg:$0x8];
	s19 =	simm.s32 $0xA00  }
0x36: {  	[tilespmem:s19], [sflag:$0x1] =	stream.linear.gather [hbm4b:s13+s3], $0x200, $0x38;
	[tilespmem:$0x13C00] =	vst v63  }
0x37: {  	s13 =	rddreg [dreg:$0x9];
	s19 =	simm.s32 $0xC00  }
0x38: {  	[tilespmem:s19], [sflag:$0x1] =	stream.linear.gather [hbm4b:s13+s3], $0x200, $0x38;
	[tilespmem:$0x13C00] =	vst v63  }
0x39: {  	s13 =	rddreg [dreg:$0xa];
	s19 =	simm.s32 $0xE00  }
0x3a: {  	[tilespmem:s19], [sflag:$0x1] =	stream.linear.gather [hbm4b:s13+s3], $0x200, $0x38;
	[tilespmem:$0x13C00] =	vst v63  }
0x3b: {  	s19 =	rddreg [dreg:$0xb]  }
0x3c: {  	[tilespmem:s20], [sflag:$0x1] =	stream.linear.gather [hbm4b:s19+s3], $0x200, $0x38;
	[tilespmem:$0x13C00] =	vst v63  }
0x3d: {  	s20 =	rddreg [dreg:$0xc]  }
0x3e: {  	s19 =	rddreg [dreg:$0x15]  }
0x3f: {  	[tilespmem:s21], [sflag:$0x1] =	stream.linear.gather [hbm4b:s20+s3], $0x200, $0x38;
	[tilespmem:$0x13C00] =	vst v63  }
0x40: {  	s21 =	rddreg [dreg:$0xd]  }
0x41: {  	[tilespmem:s22], [sflag:$0x1] =	stream.linear.gather [hbm4b:s21+s3], $0x200, $0x38;
	[tilespmem:$0x13C00] =	vst v63  }
0x42: {  	s22 =	rddreg [dreg:$0xe]  }
0x43: {  	[tilespmem:s23], [sflag:$0x1] =	stream.linear.gather [hbm4b:s22+s3], $0x200, $0x38;
	[tilespmem:$0x13C00] =	vst v63  }
0x44: {  	s23 =	rddreg [dreg:$0xf]  }
0x45: {  	[tilespmem:s24], [sflag:$0x1] =	stream.linear.gather [hbm4b:s23+s3], $0x200, $0x38;
	[tilespmem:$0x13C00] =	vst v63  }
0x46: {  	s24 =	rddreg [dreg:$0x10]  }
0x47: {  	[tilespmem:s25], [sflag:$0x1] =	stream.linear.gather [hbm4b:s24+s3], $0x200, $0x38;
	[tilespmem:$0x13C00] =	vst v63  }
0x48: {  	s25 =	rddreg [dreg:$0x11]  }
0x49: {  	[tilespmem:s26], [sflag:$0x1] =	stream.linear.gather [hbm4b:s25+s3], $0x200, $0x38;
	[tilespmem:$0x13C00] =	vst v63  }
0x4a: {  	s26 =	rddreg [dreg:$0x12]  }
0x4b: {  	[tilespmem:s28], [sflag:$0x1] =	stream.linear.gather [hbm4b:s26+s3], $0x200, $0x38;
	[tilespmem:$0x13C00] =	vst v63  }
0x4c: {  	s28 =	rddreg [dreg:$0x13]  }
0x4d: {  	[tilespmem:s29], [sflag:$0x1] =	stream.linear.gather [hbm4b:s28+s3], $0x200, $0x38;
	[tilespmem:$0x13C00] =	vst v63  }
0x4e: {  	s29 =	rddreg [dreg:$0x14]  }
0x4f: {  	[tilespmem:s30], [sflag:$0x1] =	stream.linear.gather [hbm4b:s29+s3], $0x200, $0x38;
	[tilespmem:$0x13C00] =	vst v63  }
0x50: {  	s20 =	rddreg [dreg:$0x16]  }
0x51: {  	[tilespmem:s31], [sflag:$0x1] =	stream.linear.gather [hbm4b:s19+s3], $0x200, $0x38;
	[tilespmem:$0x13C00] =	vst v63  }
0x52: {  	s21 =	rddreg [dreg:$0x17]  }
0x53: {  	[tilespmem:s0], [sflag:$0x1] =	stream.linear.gather [hbm4b:s20+s3], $0x200, $0x38;
	[tilespmem:$0x13C00] =	vst v63  }
0x54: {  	s22 =	rddreg [dreg:$0x18]  }
0x55: {  	[tilespmem:s8], [sflag:$0x1] =	stream.linear.gather [hbm4b:s21+s3], $0x200, $0x38;
	[tilespmem:$0x13C00] =	vst v63  }
0x56: {  	s23 =	rddreg [dreg:$0x19]  }
0x57: {  	[tilespmem:s1], [sflag:$0x1] =	stream.linear.gather [hbm4b:s22+s3], $0x200, $0x38;
	[tilespmem:$0x13C00] =	vst v63  }
0x58: {  	s24 =	rddreg [dreg:$0x1a]  }
0x59: {  	[tilespmem:s9], [sflag:$0x1] =	stream.linear.gather [hbm4b:s23+s3], $0x200, $0x38;
	[tilespmem:$0x13C00] =	vst v63  }
0x5a: {  	s25 =	rddreg [dreg:$0x1b]  }
0x5b: {  	[tilespmem:s4], [sflag:$0x1] =	stream.linear.gather [hbm4b:s24+s3], $0x200, $0x38;
	[tilespmem:$0x13C00] =	vst v63  }
0x5c: {  	s26 =	rddreg [dreg:$0x1c]  }
0x5d: {  	[tilespmem:s6], [sflag:$0x1] =	stream.linear.gather [hbm4b:s25+s3], $0x200, $0x38;
	[tilespmem:$0x13C00] =	vst v63  }
0x5e: {  	s28 =	rddreg [dreg:$0x1d]  }
0x5f: {  	[tilespmem:s14], [sflag:$0x1] =	stream.linear.gather [hbm4b:s26+s3], $0x200, $0x38;
	[tilespmem:$0x13C00] =	vst v63  }
0x60: {  	s29 =	rddreg [dreg:$0x1e]  }
0x61: {  	[tilespmem:s15], [sflag:$0x1] =	stream.linear.gather [hbm4b:s28+s3], $0x200, $0x38;
	[tilespmem:$0x13C00] =	vst v63  }
0x62: {  	s30 =	rddreg [dreg:$0x1f]  }
0x63: {  	[tilespmem:s16], [sflag:$0x1] =	stream.linear.gather [hbm4b:s29+s3], $0x200, $0x38;
	[tilespmem:$0x13C00] =	vst v63  }
0x64: {  	s31 =	sld [smem:$0x7FB]  }
0x65: {  	[tilespmem:s17], [sflag:$0x1] =	stream.linear.gather [hbm4b:s30+s3], $0x200, $0x38;
	[tilespmem:$0x13C00] =	vst v63  }
0x66: {  	s13 =	simm.s32 $0x0;
	s14 =	simm.s32 $0x200  }
0x67: {  	[tilespmem:s18], [sflag:$0x1] =	stream.linear.gather [hbm4b:s31+s3], $0x200, $0x38;
	[tilespmem:$0x13C00] =	vst v63  }
.LBB2_2:
0x68: {  	p0 =	sne.s32 s14, $0x3FE00;
	[tilespmem:s13+$0x3C70] =	vst v0  }
0x69: {  	[tilespmem:s13+$0x3C00] =	vst v0  }
0x6a: {  	[tilespmem:s13+$0x3C10] =	vst v0  }
.Ltmp0:
0x6b: {  	[tilespmem:s13+$0x3C20] =	vst v0;
	(pc) =	sbr.rel @p0 .LBB2_2-.Ltmp0, $4  }
0x6c: {  	[tilespmem:s13+$0x3C30] =	vst v0  }
0x6d: {  	[tilespmem:s13+$0x3C40] =	vst v0  }
0x6e: {  	[tilespmem:s13+$0x3C50] =	vst v0  }
0x6f: {  	[tilespmem:s13+$0x3C60] =	vst v0;
	s13 =	sshra.s32 s14, $0x2;
	s14 =	sadd.s32 $0x200, s14  }
0x70: {  	[tilespmem:s13+$0x3C70] =	vst v0  }
0x71: {  	[tilespmem:s13+$0x3C00] =	vst v0  }
0x72: {  	[tilespmem:s13+$0x3C10] =	vst v0  }
0x73: {  	[tilespmem:s13+$0x3C20] =	vst v0  }
0x74: {  	[tilespmem:s13+$0x3C30] =	vst v0  }
0x75: {  	[tilespmem:s13+$0x3C40] =	vst v0  }
0x76: {  	[tilespmem:s13+$0x3C50] =	vst v0  }
0x77: {  	[tilespmem:s13+$0x3C60] =	vst v0  }
0x78: {  	_ =	swait.ge [sflag:s10], $0x200  }
0x79: {  	[sflag:s10] =	ssyncset.done $0x0  }
0x7a: {  	[sflag:s10] =	ssyncadd.s32 $0xFFFFFE00  }
0x7b: {  	[tilespmem:s5], [sflag:$0x2] =	stream.indirect.gather.add.f32 [hbm:s2], $0x80, s3, s7, $0xb8;
	[tilespmem:$0x13C00] =	vst v63  }
0x7c: {  	_ =	swait.ge [sflag:s10], $0x200  }
0x7d: {  	[sflag:s10] =	ssyncset.done $0x0  }
0x7e: {  	[sflag:s10] =	ssyncadd.s32 $0xFFFFFE00  }
0x7f: {  	[tilespmem:s5], [sflag:$0x2] =	stream.indirect.gather.add.f32 [hbm:s2], $0x80, s7, s7, $0xb8;
	[tilespmem:$0x13C00] =	vst v63  }
0x80: {  	_ =	swait.ge [sflag:s10], $0x200  }
0x81: {  	[sflag:s10] =	ssyncset.done $0x0  }
0x82: {  	s0 =	simm.s32 $0x400;
	[sflag:s10] =	ssyncadd.s32 $0xFFFFFE00  }
0x83: {  	[tilespmem:s5], [sflag:$0x2] =	stream.indirect.gather.add.f32 [hbm:s2], $0x80, s0, s7, $0xb8;
	[tilespmem:$0x13C00] =	vst v63  }
0x84: {  	_ =	swait.ge [sflag:s10], $0x200  }
0x85: {  	[sflag:s10] =	ssyncset.done $0x0  }
0x86: {  	s14 =	simm.s32 $0x600;
	[sflag:s10] =	ssyncadd.s32 $0xFFFFFE00  }
0x87: {  	[tilespmem:s5], [sflag:$0x2] =	stream.indirect.gather.add.f32 [hbm:s2], $0x80, s14, s7, $0xb8;
	[tilespmem:$0x13C00] =	vst v63  }
0x88: {  	_ =	swait.ge [sflag:s10], $0x200  }
0x89: {  	[sflag:s10] =	ssyncset.done $0x0  }
0x8a: {  	s15 =	simm.s32 $0x800;
	[sflag:s10] =	ssyncadd.s32 $0xFFFFFE00  }
0x8b: {  	[tilespmem:s5], [sflag:$0x2] =	stream.indirect.gather.add.f32 [hbm:s2], $0x80, s15, s7, $0xb8;
	[tilespmem:$0x13C00] =	vst v63  }
0x8c: {  	_ =	swait.ge [sflag:s10], $0x200  }
0x8d: {  	[sflag:s10] =	ssyncset.done $0x0  }
0x8e: {  	s16 =	simm.s32 $0xA00;
	[sflag:s10] =	ssyncadd.s32 $0xFFFFFE00  }
0x8f: {  	[tilespmem:s5], [sflag:$0x2] =	stream.indirect.gather.add.f32 [hbm:s2], $0x80, s16, s7, $0xb8;
	[tilespmem:$0x13C00] =	vst v63  }
0x90: {  	_ =	swait.ge [sflag:s10], $0x200  }
0x91: {  	[sflag:s10] =	ssyncset.done $0x0  }
0x92: {  	s17 =	simm.s32 $0xC00;
	[sflag:s10] =	ssyncadd.s32 $0xFFFFFE00  }
0x93: {  	[tilespmem:s5], [sflag:$0x2] =	stream.indirect.gather.add.f32 [hbm:s2], $0x80, s17, s7, $0xb8;
	[tilespmem:$0x13C00] =	vst v63  }
0x94: {  	_ =	swait.ge [sflag:s10], $0x200  }
0x95: {  	[sflag:s10] =	ssyncset.done $0x0  }
0x96: {  	s18 =	simm.s32 $0xE00;
	[sflag:s10] =	ssyncadd.s32 $0xFFFFFE00  }
0x97: {  	[tilespmem:s5], [sflag:$0x2] =	stream.indirect.gather.add.f32 [hbm:s2], $0x80, s18, s7, $0xb8;
	[tilespmem:$0x13C00] =	vst v63  }
0x98: {  	_ =	swait.ge [sflag:s10], $0x200  }
0x99: {  	[sflag:s10] =	ssyncset.done $0x0  }
0x9a: {  	s20 =	simm.s32 $0x1000;
	[sflag:s10] =	ssyncadd.s32 $0xFFFFFE00  }
0x9b: {  	[tilespmem:s5], [sflag:$0x2] =	stream.indirect.gather.add.f32 [hbm:s2], $0x80, s20, s7, $0xb8;
	[tilespmem:$0x13C00] =	vst v63  }
0x9c: {  	_ =	swait.ge [sflag:s10], $0x200  }
0x9d: {  	[sflag:s10] =	ssyncset.done $0x0  }
0x9e: {  	s21 =	simm.s32 $0x1200;
	[sflag:s10] =	ssyncadd.s32 $0xFFFFFE00  }
0x9f: {  	[tilespmem:s5], [sflag:$0x2] =	stream.indirect.gather.add.f32 [hbm:s2], $0x80, s21, s7, $0xb8;
	[tilespmem:$0x13C00] =	vst v63  }
0xa0: {  	_ =	swait.ge [sflag:s10], $0x200  }
0xa1: {  	[sflag:s10] =	ssyncset.done $0x0  }
0xa2: {  	s22 =	simm.s32 $0x1400;
	[sflag:s10] =	ssyncadd.s32 $0xFFFFFE00  }
0xa3: {  	[tilespmem:s5], [sflag:$0x2] =	stream.indirect.gather.add.f32 [hbm:s2], $0x80, s22, s7, $0xb8;
	[tilespmem:$0x13C00] =	vst v63  }
0xa4: {  	_ =	swait.ge [sflag:s10], $0x200  }
0xa5: {  	[sflag:s10] =	ssyncset.done $0x0  }
0xa6: {  	s23 =	simm.s32 $0x1600;
	[sflag:s10] =	ssyncadd.s32 $0xFFFFFE00  }
0xa7: {  	[tilespmem:s5], [sflag:$0x2] =	stream.indirect.gather.add.f32 [hbm:s2], $0x80, s23, s7, $0xb8;
	[tilespmem:$0x13C00] =	vst v63  }
0xa8: {  	_ =	swait.ge [sflag:s10], $0x200  }
0xa9: {  	[sflag:s10] =	ssyncset.done $0x0  }
0xaa: {  	s24 =	simm.s32 $0x1800;
	[sflag:s10] =	ssyncadd.s32 $0xFFFFFE00  }
0xab: {  	[tilespmem:s5], [sflag:$0x2] =	stream.indirect.gather.add.f32 [hbm:s2], $0x80, s24, s7, $0xb8;
	[tilespmem:$0x13C00] =	vst v63  }
0xac: {  	_ =	swait.ge [sflag:s10], $0x200  }
0xad: {  	[sflag:s10] =	ssyncset.done $0x0  }
0xae: {  	s25 =	simm.s32 $0x1A00;
	[sflag:s10] =	ssyncadd.s32 $0xFFFFFE00  }
0xaf: {  	[tilespmem:s5], [sflag:$0x2] =	stream.indirect.gather.add.f32 [hbm:s2], $0x80, s25, s7, $0xb8;
	[tilespmem:$0x13C00] =	vst v63  }
0xb0: {  	_ =	swait.ge [sflag:s10], $0x200  }
0xb1: {  	[sflag:s10] =	ssyncset.done $0x0  }
0xb2: {  	s26 =	simm.s32 $0x1C00;
	[sflag:s10] =	ssyncadd.s32 $0xFFFFFE00  }
0xb3: {  	[tilespmem:s5], [sflag:$0x2] =	stream.indirect.gather.add.f32 [hbm:s2], $0x80, s26, s7, $0xb8;
	[tilespmem:$0x13C00] =	vst v63  }
0xb4: {  	_ =	swait.ge [sflag:s10], $0x200  }
0xb5: {  	[sflag:s10] =	ssyncset.done $0x0  }
0xb6: {  	s28 =	simm.s32 $0x1E00;
	[sflag:s10] =	ssyncadd.s32 $0xFFFFFE00  }
0xb7: {  	[tilespmem:s5], [sflag:$0x2] =	stream.indirect.gather.add.f32 [hbm:s2], $0x80, s28, s7, $0xb8;
	[tilespmem:$0x13C00] =	vst v63  }
0xb8: {  	_ =	swait.ge [sflag:s10], $0x200  }
0xb9: {  	[sflag:s10] =	ssyncset.done $0x0  }
0xba: {  	s29 =	simm.s32 $0x2000;
	[sflag:s10] =	ssyncadd.s32 $0xFFFFFE00  }
0xbb: {  	[tilespmem:s5], [sflag:$0x2] =	stream.indirect.gather.add.f32 [hbm:s2], $0x80, s29, s7, $0xb8;
	[tilespmem:$0x13C00] =	vst v63  }
0xbc: {  	_ =	swait.ge [sflag:s10], $0x200  }
0xbd: {  	[sflag:s10] =	ssyncset.done $0x0  }
0xbe: {  	s30 =	simm.s32 $0x2200;
	[sflag:s10] =	ssyncadd.s32 $0xFFFFFE00  }
0xbf: {  	[tilespmem:s5], [sflag:$0x2] =	stream.indirect.gather.add.f32 [hbm:s2], $0x80, s30, s7, $0xb8;
	[tilespmem:$0x13C00] =	vst v63  }
0xc0: {  	_ =	swait.ge [sflag:s10], $0x200  }
0xc1: {  	[sflag:s10] =	ssyncset.done $0x0  }
0xc2: {  	s31 =	simm.s32 $0x2400;
	[sflag:s10] =	ssyncadd.s32 $0xFFFFFE00  }
0xc3: {  	[tilespmem:s5], [sflag:$0x2] =	stream.indirect.gather.add.f32 [hbm:s2], $0x80, s31, s7, $0xb8;
	[tilespmem:$0x13C00] =	vst v63  }
0xc4: {  	_ =	swait.ge [sflag:s10], $0x200  }
0xc5: {  	[sflag:s10] =	ssyncset.done $0x0  }
0xc6: {  	s0 =	simm.s32 $0x2600;
	[sflag:s10] =	ssyncadd.s32 $0xFFFFFE00  }
0xc7: {  	[tilespmem:s5], [sflag:$0x2] =	stream.indirect.gather.add.f32 [hbm:s2], $0x80, s0, s7, $0xb8;
	[tilespmem:$0x13C00] =	vst v63  }
0xc8: {  	_ =	swait.ge [sflag:s10], $0x200  }
0xc9: {  	[sflag:s10] =	ssyncset.done $0x0  }
0xca: {  	s8 =	simm.s32 $0x2800;
	[sflag:s10] =	ssyncadd.s32 $0xFFFFFE00  }
0xcb: {  	[tilespmem:s5], [sflag:$0x2] =	stream.indirect.gather.add.f32 [hbm:s2], $0x80, s8, s7, $0xb8;
	[tilespmem:$0x13C00] =	vst v63  }
0xcc: {  	_ =	swait.ge [sflag:s10], $0x200  }
0xcd: {  	[sflag:s10] =	ssyncset.done $0x0  }
0xce: {  	s1 =	simm.s32 $0x2A00;
	[sflag:s10] =	ssyncadd.s32 $0xFFFFFE00  }
0xcf: {  	[tilespmem:s5], [sflag:$0x2] =	stream.indirect.gather.add.f32 [hbm:s2], $0x80, s1, s7, $0xb8;
	[tilespmem:$0x13C00] =	vst v63  }
0xd0: {  	_ =	swait.ge [sflag:s10], $0x200  }
0xd1: {  	[sflag:s10] =	ssyncset.done $0x0  }
0xd2: {  	s9 =	simm.s32 $0x2C00;
	[sflag:s10] =	ssyncadd.s32 $0xFFFFFE00  }
0xd3: {  	[tilespmem:s5], [sflag:$0x2] =	stream.indirect.gather.add.f32 [hbm:s2], $0x80, s9, s7, $0xb8;
	[tilespmem:$0x13C00] =	vst v63  }
0xd4: {  	_ =	swait.ge [sflag:s10], $0x200  }
0xd5: {  	[sflag:s10] =	ssyncset.done $0x0  }
0xd6: {  	s4 =	simm.s32 $0x2E00;
	[sflag:s10] =	ssyncadd.s32 $0xFFFFFE00  }
0xd7: {  	[tilespmem:s5], [sflag:$0x2] =	stream.indirect.gather.add.f32 [hbm:s2], $0x80, s4, s7, $0xb8;
	[tilespmem:$0x13C00] =	vst v63  }
0xd8: {  	_ =	swait.ge [sflag:s10], $0x200  }
0xd9: {  	[sflag:s10] =	ssyncset.done $0x0  }
0xda: {  	s6 =	simm.s32 $0x3000;
	[sflag:s10] =	ssyncadd.s32 $0xFFFFFE00  }
0xdb: {  	[tilespmem:s5], [sflag:$0x2] =	stream.indirect.gather.add.f32 [hbm:s2], $0x80, s6, s7, $0xb8;
	[tilespmem:$0x13C00] =	vst v63  }
0xdc: {  	_ =	swait.ge [sflag:s10], $0x200  }
0xdd: {  	[sflag:s10] =	ssyncset.done $0x0  }
0xde: {  	s14 =	simm.s32 $0x3200;
	[sflag:s10] =	ssyncadd.s32 $0xFFFFFE00  }
0xdf: {  	[tilespmem:s5], [sflag:$0x2] =	stream.indirect.gather.add.f32 [hbm:s2], $0x80, s14, s7, $0xb8;
	[tilespmem:$0x13C00] =	vst v63  }
0xe0: {  	_ =	swait.ge [sflag:s10], $0x200  }
0xe1: {  	[sflag:s10] =	ssyncset.done $0x0  }
0xe2: {  	s15 =	simm.s32 $0x3400;
	[sflag:s10] =	ssyncadd.s32 $0xFFFFFE00  }
0xe3: {  	[tilespmem:s5], [sflag:$0x2] =	stream.indirect.gather.add.f32 [hbm:s2], $0x80, s15, s7, $0xb8;
	[tilespmem:$0x13C00] =	vst v63  }
0xe4: {  	_ =	swait.ge [sflag:s10], $0x200  }
0xe5: {  	[sflag:s10] =	ssyncset.done $0x0  }
0xe6: {  	s16 =	simm.s32 $0x3600;
	[sflag:s10] =	ssyncadd.s32 $0xFFFFFE00  }
0xe7: {  	[tilespmem:s5], [sflag:$0x2] =	stream.indirect.gather.add.f32 [hbm:s2], $0x80, s16, s7, $0xb8;
	[tilespmem:$0x13C00] =	vst v63  }
0xe8: {  	_ =	swait.ge [sflag:s10], $0x200  }
0xe9: {  	[sflag:s10] =	ssyncset.done $0x0  }
0xea: {  	s17 =	simm.s32 $0x3800;
	[sflag:s10] =	ssyncadd.s32 $0xFFFFFE00  }
0xeb: {  	[tilespmem:s5], [sflag:$0x2] =	stream.indirect.gather.add.f32 [hbm:s2], $0x80, s17, s7, $0xb8;
	[tilespmem:$0x13C00] =	vst v63  }
0xec: {  	_ =	swait.ge [sflag:s10], $0x200  }
0xed: {  	[sflag:s10] =	ssyncset.done $0x0  }
0xee: {  	s18 =	simm.s32 $0x3A00;
	[sflag:s10] =	ssyncadd.s32 $0xFFFFFE00  }
0xef: {  	[tilespmem:s5], [sflag:$0x2] =	stream.indirect.gather.add.f32 [hbm:s2], $0x80, s18, s7, $0xb8;
	[tilespmem:$0x13C00] =	vst v63  }
0xf0: {  	_ =	swait.ge [sflag:s11], $0x10000  }
0xf1: {  	[sflag:s11] =	ssyncset.done $0x0  }
0xf2: {  	[sflag:s11] =	ssyncadd.s32 $0xFFFF0000  }
0xf3: {  	_ =	swait.ge [sflag:s11], $0x10000  }
0xf4: {  	[sflag:s11] =	ssyncset.done $0x0  }
0xf5: {  	[sflag:s11] =	ssyncadd.s32 $0xFFFF0000  }
0xf6: {  	_ =	swait.ge [sflag:s11], $0x10000  }
0xf7: {  	[sflag:s11] =	ssyncset.done $0x0  }
0xf8: {  	[sflag:s11] =	ssyncadd.s32 $0xFFFF0000  }
0xf9: {  	_ =	swait.ge [sflag:s11], $0x10000  }
0xfa: {  	[sflag:s11] =	ssyncset.done $0x0  }
0xfb: {  	[sflag:s11] =	ssyncadd.s32 $0xFFFF0000  }
0xfc: {  	_ =	swait.ge [sflag:s11], $0x10000  }
0xfd: {  	[sflag:s11] =	ssyncset.done $0x0  }
0xfe: {  	[sflag:s11] =	ssyncadd.s32 $0xFFFF0000  }
0xff: {  	_ =	swait.ge [sflag:s11], $0x10000  }
0x100: {  	[sflag:s11] =	ssyncset.done $0x0  }
0x101: {  	[sflag:s11] =	ssyncadd.s32 $0xFFFF0000  }
0x102: {  	_ =	swait.ge [sflag:s11], $0x10000  }
0x103: {  	[sflag:s11] =	ssyncset.done $0x0  }
0x104: {  	[sflag:s11] =	ssyncadd.s32 $0xFFFF0000  }
0x105: {  	_ =	swait.ge [sflag:s11], $0x10000  }
0x106: {  	[sflag:s11] =	ssyncset.done $0x0  }
0x107: {  	[sflag:s11] =	ssyncadd.s32 $0xFFFF0000  }
0x108: {  	_ =	swait.ge [sflag:s11], $0x10000  }
0x109: {  	[sflag:s11] =	ssyncset.done $0x0  }
0x10a: {  	[sflag:s11] =	ssyncadd.s32 $0xFFFF0000  }
0x10b: {  	_ =	swait.ge [sflag:s11], $0x10000  }
0x10c: {  	[sflag:s11] =	ssyncset.done $0x0  }
0x10d: {  	[sflag:s11] =	ssyncadd.s32 $0xFFFF0000  }
0x10e: {  	_ =	swait.ge [sflag:s11], $0x10000  }
0x10f: {  	[sflag:s11] =	ssyncset.done $0x0  }
0x110: {  	[sflag:s11] =	ssyncadd.s32 $0xFFFF0000  }
0x111: {  	_ =	swait.ge [sflag:s11], $0x10000  }
0x112: {  	[sflag:s11] =	ssyncset.done $0x0  }
0x113: {  	[sflag:s11] =	ssyncadd.s32 $0xFFFF0000  }
0x114: {  	_ =	swait.ge [sflag:s11], $0x10000  }
0x115: {  	[sflag:s11] =	ssyncset.done $0x0  }
0x116: {  	[sflag:s11] =	ssyncadd.s32 $0xFFFF0000  }
0x117: {  	_ =	swait.ge [sflag:s11], $0x10000  }
0x118: {  	[sflag:s11] =	ssyncset.done $0x0  }
0x119: {  	[sflag:s11] =	ssyncadd.s32 $0xFFFF0000  }
0x11a: {  	_ =	swait.ge [sflag:s11], $0x10000  }
0x11b: {  	[sflag:s11] =	ssyncset.done $0x0  }
0x11c: {  	[sflag:s11] =	ssyncadd.s32 $0xFFFF0000  }
0x11d: {  	_ =	swait.ge [sflag:s11], $0x10000  }
0x11e: {  	[sflag:s11] =	ssyncset.done $0x0  }
0x11f: {  	[sflag:s11] =	ssyncadd.s32 $0xFFFF0000  }
0x120: {  	_ =	swait.ge [sflag:s11], $0x10000  }
0x121: {  	[sflag:s11] =	ssyncset.done $0x0  }
0x122: {  	[sflag:s11] =	ssyncadd.s32 $0xFFFF0000  }
0x123: {  	_ =	swait.ge [sflag:s11], $0x10000  }
0x124: {  	[sflag:s11] =	ssyncset.done $0x0  }
0x125: {  	[sflag:s11] =	ssyncadd.s32 $0xFFFF0000  }
0x126: {  	_ =	swait.ge [sflag:s11], $0x10000  }
0x127: {  	[sflag:s11] =	ssyncset.done $0x0  }
0x128: {  	[sflag:s11] =	ssyncadd.s32 $0xFFFF0000  }
0x129: {  	_ =	swait.ge [sflag:s11], $0x10000  }
0x12a: {  	[sflag:s11] =	ssyncset.done $0x0  }
0x12b: {  	[sflag:s11] =	ssyncadd.s32 $0xFFFF0000  }
0x12c: {  	_ =	swait.ge [sflag:s11], $0x10000  }
0x12d: {  	[sflag:s11] =	ssyncset.done $0x0  }
0x12e: {  	[sflag:s11] =	ssyncadd.s32 $0xFFFF0000  }
0x12f: {  	_ =	swait.ge [sflag:s11], $0x10000  }
0x130: {  	[sflag:s11] =	ssyncset.done $0x0  }
0x131: {  	[sflag:s11] =	ssyncadd.s32 $0xFFFF0000  }
0x132: {  	_ =	swait.ge [sflag:s11], $0x10000  }
0x133: {  	[sflag:s11] =	ssyncset.done $0x0  }
0x134: {  	[sflag:s11] =	ssyncadd.s32 $0xFFFF0000  }
0x135: {  	_ =	swait.ge [sflag:s11], $0x10000  }
0x136: {  	[sflag:s11] =	ssyncset.done $0x0  }
0x137: {  	[sflag:s11] =	ssyncadd.s32 $0xFFFF0000  }
0x138: {  	_ =	swait.ge [sflag:s11], $0x10000  }
0x139: {  	[sflag:s11] =	ssyncset.done $0x0  }
0x13a: {  	[sflag:s11] =	ssyncadd.s32 $0xFFFF0000  }
0x13b: {  	_ =	swait.ge [sflag:s11], $0x10000  }
0x13c: {  	[sflag:s11] =	ssyncset.done $0x0  }
0x13d: {  	[sflag:s11] =	ssyncadd.s32 $0xFFFF0000  }
0x13e: {  	_ =	swait.ge [sflag:s11], $0x10000  }
0x13f: {  	[sflag:s11] =	ssyncset.done $0x0  }
0x140: {  	[sflag:s11] =	ssyncadd.s32 $0xFFFF0000  }
0x141: {  	_ =	swait.ge [sflag:s11], $0x10000  }
0x142: {  	[sflag:s11] =	ssyncset.done $0x0  }
0x143: {  	[sflag:s11] =	ssyncadd.s32 $0xFFFF0000  }
0x144: {  	_ =	swait.ge [sflag:s11], $0x10000  }
0x145: {  	[sflag:s11] =	ssyncset.done $0x0  }
0x146: {  	[sflag:s11] =	ssyncadd.s32 $0xFFFF0000  }
0x147: {  	_ =	swait.ge [sflag:s11], $0x10000  }
0x148: {  	s19 =	sld [smem:$0x7FC]  }
0x149: {  	[sflag:s11] =	ssyncset.done $0x0  }
0x14a: {  	[sflag:s11] =	ssyncadd.s32 $0xFFFF0000  }
0x14b: {  	[hbm4b:s19+s3] =	stream.linear.scatter [tilespmem:s5], [sflag:$0x3], $0x10000, $0x38;
	[tilespmem:$0x13C00] =	vst v63  }
0x14c: {  	s19 =	simm.s32 $0x3  }
0x14d: {  	_ =	swait.ge [sflag:s19], $0x10000  }
0x14e: {  	s13 =	sld [smem:$0x7FD];
	_ =	sdelay $0x1  }
0x14f: {  	s12 =	sadd.s32 $0x1, s12  }
0x150: {  	p0 =	sne.s32 s12, s13  }
.Ltmp1:
0x151: {  	_ = 	snop;
	(pc) =	sbr.rel @p0 .LBB2_1-.Ltmp1, $3  }
0x152: {  	_ =	sdelay $0x1  }
0x153: {  	[sflag:s19] =	ssyncset.done $0x0  }
0x154: {  	[sflag:s19] =	ssyncadd.s32 $0xFFFF0000;
	s19 =	simm.s32 $0x400  }
0x155: {  	_ =	sfence.sel $0x180000  }
0x156: {  	[bflag:$0x0] =	sbarrier.arrive $0xFFFF  }
0x157: {  	_ =	strace $0x90000047  }
0x158: {  	s0 =	stileid.u32;
	[bflag:$0x2] =	sbarrier.arrive $0xFFFF  }
0x159: {  	p0 =	sne.s32 s0, $0x0;
	s0 =	rddreg [dreg:$0x2]  }
0x15a: {  	s0 =	sadd.s32 @!p0 $0x100000, s0  }
0x15b: {  	[sflag:s0] =	ssyncadd.tile.s32 @!p0 $0x1;
	_ =	shalt  }
.Lfunc_end2:
_tile_overlayer_lowered:
.L_overlay_start_2:
0x15c: {  	(tag) =	ssettag $0x2  }
0x15d: {  	s0 =	rddreg [dreg:$0x0];
	s2 =	stileid.u32  }
0x15e: {  	s1 =	rddreg [dreg:$0x1];
	p0 =	sne.s32 s2, $0x0  }
0x15f: {  	s3 =	rddreg [dreg:$0x2];
	[bflag:$0x3] =	sbarrier.arrive $0xFFFF;
	s2 =	simm.s32 @!p0 $0x1C03  }
0x160: {  	[timem:s3], [sflag:s2] =	dma.local @!p0 [hbm:s0], s1  }
0x161: {  	s0 =	simm.s32 @!p0 $0x3  }
0x162: {  	_ =	swait.ge @!p0 [sflag:s0], s1  }
0x163: {  	s1 =	ssub.s32 @!p0 $0x0, s1;
	[sflag:s0] =	ssyncset.done @!p0 $0x0  }
0x164: {  	[sflag:s0] =	ssyncadd.s32 @!p0 s1  }
0x165: {  	[bflag:$0x3] =	sbarrier.arrive $0xFFFF  }
0x166: {  	_ =	shalt  }

</sc_bundles>
